<compile_context>
chip_gen: v7x
topology: tpu7x:2x2x1
jax: 0.10.2.dev20260603
libtpu: 0.0.44.dev20260713+nightly
codegen_flags: <defaults>
</compile_context>

<pallas_src>
import functools

import jax
import jax.numpy as jnp
from jax import lax
from jax.experimental import pallas as pl
from jax.experimental.pallas import tpu as pltpu
from jax.experimental.pallas import tpu_sc as plsc

N = 10000
NP = 10240
E = 320000
DIM_H = 512
B = 64
NC = 2
NS = 16
F = 8
FH = 4
NW = NC * NS
NSL = NP // NS
NPS = NP + 4

_EPT = E // NS
_CH = 2000

_mesh = plsc.VectorSubcoreMesh(core_axis_name="c", subcore_axis_name="s")
_sc_params = pltpu.CompilerParams(needs_layout_passes=False)


def _rsqrt16(x):
    i = plsc.bitcast(x, jnp.int32)
    i = jnp.int32(0x5F3759DF) - lax.shift_right_logical(i, 1)
    y = plsc.bitcast(i, jnp.float32)
    for _ in range(3):
        y = y * (1.5 - 0.5 * x * y * y)
    return y


@functools.partial(
    pl.kernel,
    out_type=(
        jax.ShapeDtypeStruct((NC, NS, FH, NP), jnp.float32),
        jax.ShapeDtypeStruct((1, NP), jnp.float32),
    ),
    mesh=_mesh,
    compiler_params=_sc_params,
    scratch_types=[
        pltpu.VMEM((NP,), jnp.float32),
        pltpu.VMEM((NS, NSL), jnp.float32),
        [pltpu.VMEM((NP,), jnp.float32) for _ in range(FH)],
        [pltpu.VMEM((NP,), jnp.float32) for _ in range(FH)],
        pltpu.VMEM((_CH,), jnp.int32),
        pltpu.VMEM((_CH,), jnp.int32),
        pltpu.VMEM((_CH,), jnp.float32),
        pltpu.VMEM((FH, NSL), jnp.float32),
        pltpu.VMEM((NSL,), jnp.float32),
        pltpu.VMEM_SHARED((NS, NP), jnp.float32),
        pltpu.VMEM_SHARED((FH, NP), jnp.float32),
    ],
)
def _gcn_sc_kernel(row_hbm, col_hbm, ew_hbm, x8t_hbm, tpart_hbm, d_hbm,
                   deg0, redbuf, xps, ths, rowb, colb, ewb, xbuf, dbuf,
                   shared_deg, shared_xp):
    c = lax.axis_index("c")
    s = lax.axis_index("s")

    scope1 = jax.named_scope("ph1_deg")
    scope1.__enter__()

    @plsc.parallel_loop(0, NP // 16, unroll=8)
    def _(i):
        z = jnp.zeros((16,), jnp.float32)
        deg0[pl.ds(i * 16, 16)] = z
        for r in range(3):
            xps[r][pl.ds(i * 16, 16)] = z

    def deg_chunk(ch, carry):
        base = s * _EPT + ch * _CH
        pltpu.sync_copy(col_hbm.at[pl.ds(base, _CH)], colb)
        pltpu.sync_copy(ew_hbm.at[pl.ds(base, _CH)], ewb)

        dsts = (deg0, xps[0], xps[1], xps[2], xps[0])

        @plsc.parallel_loop(0, _CH // 80, unroll=2)
        def _(g):
            for j, dst in enumerate(dsts):
                sl = pl.ds(g * 80 + j * 16, 16)
                plsc.addupdate_scatter(dst, [colb[sl]], ewb[sl])

        return carry

    lax.fori_loop(0, _EPT // _CH, deg_chunk, None)

    @plsc.parallel_loop(0, NP // 16, unroll=8)
    def _(i):
        sl = pl.ds(i * 16, 16)
        deg0[sl] = (deg0[sl] + xps[0][sl]) + (xps[1][sl] + xps[2][sl])
    scope1.__exit__(None, None, None)

    pltpu.sync_copy(deg0, shared_deg.at[s])
    plsc.subcore_barrier()

    scope3 = jax.named_scope("ph345_prep")
    scope3.__enter__()
    pltpu.sync_copy(shared_deg.at[:, pl.ds(s * NSL, NSL)], redbuf)

    @plsc.parallel_loop(0, NSL // 16, unroll=2)
    def _(g):
        acc = redbuf[0, pl.ds(g * 16, 16)]
        for slot in range(1, NS):
            acc = acc + redbuf[slot, pl.ds(g * 16, 16)]
        dbuf[pl.ds(g * 16, 16)] = _rsqrt16(acc + 1.0)

    pltpu.sync_copy(
        x8t_hbm.at[pl.ds(c * FH, FH), pl.ds(s * NSL, NSL)], xbuf)

    for r in range(FH):
        @plsc.parallel_loop(0, NSL // 16, unroll=4)
        def _(g, r=r):
            sl = pl.ds(g * 16, 16)
            xbuf[r, sl] = xbuf[r, sl] * dbuf[sl]

    pltpu.sync_copy(xbuf, shared_xp.at[:, pl.ds(s * NSL, NSL)])

    @pl.when(c == 0)
    def _():
        pltpu.sync_copy(dbuf, d_hbm.at[0, pl.ds(s * NSL, NSL)])

    plsc.subcore_barrier()

    for r in range(FH):
        pltpu.sync_copy(shared_xp.at[r], xps[r])

    scope3.__exit__(None, None, None)

    scope6 = jax.named_scope("ph6_agg")
    scope6.__enter__()
    @plsc.parallel_loop(0, NP // 16, unroll=8)
    def _(i):
        sl = pl.ds(i * 16, 16)
        z = jnp.zeros((16,), jnp.float32)
        for r in range(FH):
            ths[r][sl] = z

    def agg_chunk(ch, carry):
        base = s * _EPT + ch * _CH
        pltpu.sync_copy(row_hbm.at[pl.ds(base, _CH)], rowb)
        pltpu.sync_copy(col_hbm.at[pl.ds(base, _CH)], colb)
        pltpu.sync_copy(ew_hbm.at[pl.ds(base, _CH)], ewb)

        @plsc.parallel_loop(0, _CH // 16, unroll=2)
        def _(k):
            sl = pl.ds(k * 16, 16)
            rowv = rowb[sl]
            colv = colb[sl]
            ewv = ewb[sl]
            for r in range(FH):
                xv = plsc.load_gather(xps[r], [rowv])
                plsc.addupdate_scatter(ths[r], [colv], xv * ewv)

        return carry

    lax.fori_loop(0, _EPT // _CH, agg_chunk, None)
    scope6.__exit__(None, None, None)

    with jax.named_scope("ph7_out"):
        for r in range(FH):
            pltpu.sync_copy(ths[r], tpart_hbm.at[c, s, r])


_NB = 10
_BN = NP // _NB


def _tail_body(tpart_ref, x8t_ref, d_ref, batch_ref, w1_ref, b1_ref,
               w2_ref, b2_ref, out_ref, acc, cnt):
    i = pl.program_id(0)

    @pl.when(i == 0)
    def _():
        acc[...] = jnp.zeros_like(acc)
        cnt[...] = jnp.zeros_like(cnt)

    tb = jnp.sum(tpart_ref[...], axis=1).reshape(F, _BN)
    dv = d_ref[...]
    sb = dv * (tb + dv * x8t_ref[...])
    hb = lax.dot_general(sb, w1_ref[...], (((0,), (0,)), ((), ())),
                         preferred_element_type=jnp.float32)
    hb = jnp.maximum(hb + b1_ref[...], 0.0)
    bids = batch_ref[...]
    gi = lax.broadcasted_iota(jnp.int32, (B, _BN), 0)
    oh = (gi == bids).astype(jnp.float32)
    acc[...] += lax.dot_general(oh, hb, (((1,), (0,)), ((), ())),
                                preferred_element_type=jnp.float32)
    cnt[...] += jnp.sum(oh, axis=1, keepdims=True)

    @pl.when(i == _NB - 1)
    def _():
        hg = acc[...] / jnp.maximum(cnt[...], 1.0)
        o = lax.dot_general(hg, w2_ref[...], (((1,), (0,)), ((), ())),
                            preferred_element_type=jnp.float32) + b2_ref[...]
        m = jnp.max(o, axis=1, keepdims=True)
        lse = m + jnp.log(jnp.sum(jnp.exp(o - m), axis=1, keepdims=True))
        out_ref[...] = o - lse


def _tail_call(tpart, x8t, d, batch2d, w1p, b1, w2, b2):
    return pl.pallas_call(
        _tail_body,
        grid=(_NB,),
        in_specs=[
            pl.BlockSpec((NC, NS, FH, _BN), lambda i: (0, 0, 0, i)),
            pl.BlockSpec((F, _BN), lambda i: (0, i)),
            pl.BlockSpec((1, _BN), lambda i: (0, i)),
            pl.BlockSpec((1, _BN), lambda i: (0, i)),
            pl.BlockSpec((F, DIM_H), lambda i: (0, 0)),
            pl.BlockSpec((1, DIM_H), lambda i: (0, 0)),
            pl.BlockSpec((DIM_H, 2), lambda i: (0, 0)),
            pl.BlockSpec((1, 2), lambda i: (0, 0)),
        ],
        out_specs=pl.BlockSpec((B, 2), lambda i: (0, 0)),
        out_shape=jax.ShapeDtypeStruct((B, 2), jnp.float32),
        scratch_shapes=[
            pltpu.VMEM((B, DIM_H), jnp.float32),
            pltpu.VMEM((B, 1), jnp.float32),
        ],
    )(tpart, x8t, d, batch2d, w1p, b1, w2, b2)


def kernel(x, edge_index, batch, edge_weight, W1, b1, W2, b2):
    ei = edge_index.astype(jnp.int32)
    ew = edge_weight.astype(jnp.float32)

    batch2d = jnp.concatenate(
        [batch.astype(jnp.int32),
         jnp.full((NP - N,), B, jnp.int32)]).reshape(1, NP)

    x8t = jnp.zeros((F, NP), jnp.float32).at[:7, :N].set(
        x.T.astype(jnp.float32))

    tpart, d = _gcn_sc_kernel(ei[0], ei[1], ew, x8t)

    w1p = jnp.concatenate(
        [W1.astype(jnp.float32), jnp.zeros((1, DIM_H), jnp.float32)], axis=0)
    out = _tail_call(tpart, x8t, d, batch2d, w1p,
                     b1.reshape(1, DIM_H), W2, b2.reshape(1, 2))
    return out

# --- scband reference (transcript-rebuilt; emitter-appended) ---
"""Pipeline reference for scband-gcn-34883724378266 (READ-ONLY COPY).

The authoritative reference and input builder live on the scoring server;
editing this copy changes nothing except your own understanding.
"""

import jax, jax.numpy as jnp
import numpy as np

N = 10000
E = 320000
DIM_H = 512
B = 64

def setup_inputs(seed: int = 0) -> dict:
    key = jax.random.key(seed)
    k1, k2, k3, k4, k5, k6 = jax.random.split(key, 6)
    x = jax.random.normal(k1, (N, 7), dtype=jnp.float32)
    edge_index = jax.random.randint(k2, (2, E), 0, N).astype(jnp.int64)
    batch = jnp.sort(jax.random.randint(k3, (N,), 0, B)).astype(jnp.int64)
    edge_weight = jax.random.uniform(k4, (E,), dtype=jnp.float32)
    # GCNConv(7, dim_h) params
    W1 = jax.random.normal(k5, (7, DIM_H), dtype=jnp.float32) * (1.0 / np.sqrt(7))
    b1 = jnp.zeros((DIM_H,), dtype=jnp.float32)
    # Linear(dim_h, 2) params
    W2 = jax.random.normal(k6, (DIM_H, 2), dtype=jnp.float32) * (1.0 / np.sqrt(DIM_H))
    b2 = jnp.zeros((2,), dtype=jnp.float32)
    return {"x": x, "edge_index": edge_index, "batch": batch, "edge_weight": edge_weight,
            "W1": W1, "b1": b1, "W2": W2, "b2": b2}

def reference(x, edge_index, batch, edge_weight, W1, b1, W2, b2):
    n = x.shape[0]
    row = edge_index[0]
    col = edge_index[1]
    # GCNConv: add self-loops with weight 1 (fill_value=1.0)
    loop = jnp.arange(n, dtype=edge_index.dtype)
    row_f = jnp.concatenate([row, loop])
    col_f = jnp.concatenate([col, loop])
    ew_f = jnp.concatenate([edge_weight, jnp.ones((n,), dtype=x.dtype)])
    # symmetric normalization: deg computed at destination (col)
    deg = jnp.zeros((n,), dtype=x.dtype).at[col_f].add(ew_f)
    deg_inv_sqrt = jnp.where(deg > 0, jax.lax.rsqrt(jnp.maximum(deg, 1e-30)), 0.0)
    norm = deg_inv_sqrt[row_f] * ew_f * deg_inv_sqrt[col_f]
    # linear transform then propagate (gather at src, scatter-add at dst)
    xw = x @ W1
    msg = xw[row_f] * norm[:, None]
    h = jnp.zeros((n, W1.shape[1]), dtype=x.dtype).at[col_f].add(msg)
    h = h + b1
    h = jax.nn.relu(h)
    # global_mean_pool over batch assignments
    sums = jnp.zeros((B, h.shape[1]), dtype=h.dtype).at[batch].add(h)
    cnt = jnp.zeros((B,), dtype=h.dtype).at[batch].add(1.0)
    hG = sums / jnp.maximum(cnt, 1.0)[:, None]
    # dropout is identity in eval mode
    out = hG @ W2 + b2
    return jax.nn.log_softmax(out, axis=1)

if __name__ == "__main__":
    import jax
    _d = setup_inputs()
    print(jax.jit(kernel)(*tuple(_d.values())))

</pallas_src>

<mosaic_0001>
#map = affine_map<(d0, d1) -> (0)>
#map1 = affine_map<(d0, d1) -> (0, 0)>
#map2 = affine_map<(d0, d1) -> (0, 0, 0, 0)>
module attributes {stable_mosaic.version = 14 : i64} {
  func.func @_gcn_sc_kernel(%arg0: i32, %arg1: i32, %arg2: memref<320000xi32, #tpu.memory_space<hbm>>, %arg3: memref<320000xi32, #tpu.memory_space<hbm>>, %arg4: memref<320000xf32, #tpu.memory_space<hbm>>, %arg5: memref<8x10240xf32, #tpu.memory_space<hbm>>, %arg6: memref<2x16x4x10240xf32, #tpu.memory_space<hbm>>, %arg7: memref<1x10240xf32, #tpu.memory_space<hbm>>, %arg8: memref<10240xf32, #tpu.memory_space<vmem>>, %arg9: memref<16x640xf32, #tpu.memory_space<vmem>>, %arg10: memref<10240xf32, #tpu.memory_space<vmem>>, %arg11: memref<10240xf32, #tpu.memory_space<vmem>>, %arg12: memref<10240xf32, #tpu.memory_space<vmem>>, %arg13: memref<10240xf32, #tpu.memory_space<vmem>>, %arg14: memref<10240xf32, #tpu.memory_space<vmem>>, %arg15: memref<10240xf32, #tpu.memory_space<vmem>>, %arg16: memref<10240xf32, #tpu.memory_space<vmem>>, %arg17: memref<10240xf32, #tpu.memory_space<vmem>>, %arg18: memref<2000xi32, #tpu.memory_space<vmem>>, %arg19: memref<2000xi32, #tpu.memory_space<vmem>>, %arg20: memref<2000xf32, #tpu.memory_space<vmem>>, %arg21: memref<4x640xf32, #tpu.memory_space<vmem>>, %arg22: memref<640xf32, #tpu.memory_space<vmem>>, %arg23: memref<16x10240xf32, #tpu.memory_space<vmem_shared>>, %arg24: memref<4x10240xf32, #tpu.memory_space<vmem_shared>>) attributes {dimension_semantics = [#tpu.dimension_semantics<core_parallel>, #tpu.dimension_semantics<subcore_parallel>], iteration_bounds = array<i64: 2, 16>, scalar_prefetch = 0 : i64, scratch_operands = 17 : i64, tpu.core_type = #tpu.core_type<sc_vector_subcore>, window_params = [{transform_indices = #map}, {transform_indices = #map}, {transform_indices = #map}, {transform_indices = #map1}, {transform_indices = #map2}, {transform_indices = #map1}]} {
    %parallel_loop3A = arith.constant 0 : i32
    %parallel_loop3A_0 = arith.constant 640 : i32
    %parallel_loop3A_1 = arith.constant 1 : i32
    "tpu.trace_start"() <{level = 10 : i32, message = "ph1_deg"}> : () -> ()
    scf.for %parallel_loop3A_49 = %parallel_loop3A to %parallel_loop3A_0 step %parallel_loop3A_1  : i32 {
      %parallel_loop3A_50 = arith.constant 0.000000e+00 : f32
      %parallel_loop3A_51 = vector.broadcast %parallel_loop3A_50 : f32 to vector<16xf32>
      %parallel_loop3A_52 = arith.constant 16 : i32
      %parallel_loop3A_53 = arith.muli %parallel_loop3A_49, %parallel_loop3A_52 : i32
      %parallel_loop3A_54 = arith.index_cast %parallel_loop3A_53 : i32 to index
      %parallel_loop3A_55 = tpu.vector_load %arg8[%parallel_loop3A_54] {strides = array<i32>} : memref<10240xf32, #tpu.memory_space<vmem>>, vector<16xf32>,
      tpu.vector_store %arg8[%parallel_loop3A_54], %parallel_loop3A_51 {strides = array<i32>} : memref<10240xf32, #tpu.memory_space<vmem>>, vector<16xf32>,
      %parallel_loop3A_56 = arith.constant 16 : i32
      %parallel_loop3A_57 = arith.muli %parallel_loop3A_49, %parallel_loop3A_56 : i32
      %parallel_loop3A_58 = arith.index_cast %parallel_loop3A_57 : i32 to index
      %parallel_loop3A_59 = tpu.vector_load %arg10[%parallel_loop3A_58] {strides = array<i32>} : memref<10240xf32, #tpu.memory_space<vmem>>, vector<16xf32>,
      tpu.vector_store %arg10[%parallel_loop3A_58], %parallel_loop3A_51 {strides = array<i32>} : memref<10240xf32, #tpu.memory_space<vmem>>, vector<16xf32>,
      %parallel_loop3A_60 = arith.constant 16 : i32
      %parallel_loop3A_61 = arith.muli %parallel_loop3A_49, %parallel_loop3A_60 : i32
      %parallel_loop3A_62 = arith.index_cast %parallel_loop3A_61 : i32 to index
      %parallel_loop3A_63 = tpu.vector_load %arg11[%parallel_loop3A_62] {strides = array<i32>} : memref<10240xf32, #tpu.memory_space<vmem>>, vector<16xf32>,
      tpu.vector_store %arg11[%parallel_loop3A_62], %parallel_loop3A_51 {strides = array<i32>} : memref<10240xf32, #tpu.memory_space<vmem>>, vector<16xf32>,
      %parallel_loop3A_64 = arith.constant 16 : i32
      %parallel_loop3A_65 = arith.muli %parallel_loop3A_49, %parallel_loop3A_64 : i32
      %parallel_loop3A_66 = arith.index_cast %parallel_loop3A_65 : i32 to index
      %parallel_loop3A_67 = tpu.vector_load %arg12[%parallel_loop3A_66] {strides = array<i32>} : memref<10240xf32, #tpu.memory_space<vmem>>, vector<16xf32>,
      tpu.vector_store %arg12[%parallel_loop3A_66], %parallel_loop3A_51 {strides = array<i32>} : memref<10240xf32, #tpu.memory_space<vmem>>, vector<16xf32>,
    } {sc.loop_unroll_factor = 8 : i64, sc.parallel_access}
    %scan3A = arith.constant 0 : i32
    %scan3A_2 = arith.constant 10 : i32
    %scan3A_3 = arith.addi %scan3A, %scan3A_2 : i32
    %scan3A_4 = arith.constant 1 : i32
    scf.for %scan3A_49 = %scan3A to %scan3A_3 step %scan3A_4  : i32 {
      %mul3A_50 = arith.constant 20000 : i32
      %mul3A_51 = arith.muli %arg1, %mul3A_50 : i32
      %mul3A_52 = arith.constant 2000 : i32
      %mul3A_53 = arith.muli %scan3A_49, %mul3A_52 : i32
      %add3A = arith.addi %mul3A_51, %mul3A_53 : i32
      "tpu.region"() ({
        %run_scoped3A_57 = tpu.sem_alloc : memref<!tpu.dma_semaphore, #tpu.memory_space<semaphore_mem>>
        %dma_start3A = tpu.memref_slice %arg3[%add3A] : memref<320000xi32, #tpu.memory_space<hbm>> -> memref<2000xi32, #tpu.memory_space<hbm>>
        %dma_start3A_58 = tpu.memref_slice %arg3[%add3A] : memref<320000xi32, #tpu.memory_space<hbm>> -> memref<2000xi32, #tpu.memory_space<hbm>>
        tpu.enqueue_dma source(%dma_start3A_58 : memref<2000xi32, #tpu.memory_space<hbm>>) target(%arg19 : memref<2000xi32, #tpu.memory_space<vmem>>) target_semaphore(%run_scoped3A_57 : memref<!tpu.dma_semaphore, #tpu.memory_space<semaphore_mem>>)
        %dma_wait3A = tpu.memref_slice %arg3[%add3A] : memref<320000xi32, #tpu.memory_space<hbm>> -> memref<2000xi32, #tpu.memory_space<hbm>>
        %dma_wait3A_59 = tpu.memref_slice %arg3[%add3A] : memref<320000xi32, #tpu.memory_space<hbm>> -> memref<2000xi32, #tpu.memory_space<hbm>>
        tpu.wait_dma2 semaphore(%run_scoped3A_57 : memref<!tpu.dma_semaphore, #tpu.memory_space<semaphore_mem>>) src(%dma_wait3A_59 : memref<2000xi32, #tpu.memory_space<hbm>>) dst(%arg19 : memref<2000xi32, #tpu.memory_space<vmem>>)
        tpu.yield
      }) : () -> ()
      "tpu.region"() ({
        %run_scoped3A_57 = tpu.sem_alloc : memref<!tpu.dma_semaphore, #tpu.memory_space<semaphore_mem>>
        %dma_start3A = tpu.memref_slice %arg4[%add3A] : memref<320000xf32, #tpu.memory_space<hbm>> -> memref<2000xf32, #tpu.memory_space<hbm>>
        %dma_start3A_58 = tpu.memref_slice %arg4[%add3A] : memref<320000xf32, #tpu.memory_space<hbm>> -> memref<2000xf32, #tpu.memory_space<hbm>>
        tpu.enqueue_dma source(%dma_start3A_58 : memref<2000xf32, #tpu.memory_space<hbm>>) target(%arg20 : memref<2000xf32, #tpu.memory_space<vmem>>) target_semaphore(%run_scoped3A_57 : memref<!tpu.dma_semaphore, #tpu.memory_space<semaphore_mem>>)
        %dma_wait3A = tpu.memref_slice %arg4[%add3A] : memref<320000xf32, #tpu.memory_space<hbm>> -> memref<2000xf32, #tpu.memory_space<hbm>>
        %dma_wait3A_59 = tpu.memref_slice %arg4[%add3A] : memref<320000xf32, #tpu.memory_space<hbm>> -> memref<2000xf32, #tpu.memory_space<hbm>>
        tpu.wait_dma2 semaphore(%run_scoped3A_57 : memref<!tpu.dma_semaphore, #tpu.memory_space<semaphore_mem>>) src(%dma_wait3A_59 : memref<2000xf32, #tpu.memory_space<hbm>>) dst(%arg20 : memref<2000xf32, #tpu.memory_space<vmem>>)
        tpu.yield
      }) : () -> ()
      %parallel_loop3A_54 = arith.constant 0 : i32
      %parallel_loop3A_55 = arith.constant 25 : i32
      %parallel_loop3A_56 = arith.constant 1 : i32
      scf.for %parallel_loop3A_57 = %parallel_loop3A_54 to %parallel_loop3A_55 step %parallel_loop3A_56  : i32 {
        %parallel_loop3A_58 = arith.constant 80 : i32
        %parallel_loop3A_59 = arith.muli %parallel_loop3A_57, %parallel_loop3A_58 : i32
        %parallel_loop3A_60 = arith.constant 0 : i32
        %parallel_loop3A_61 = arith.addi %parallel_loop3A_59, %parallel_loop3A_60 : i32
        %parallel_loop3A_62 = arith.index_cast %parallel_loop3A_61 : i32 to index
        %parallel_loop3A_63 = tpu.vector_load %arg19[%parallel_loop3A_62] {strides = array<i32>} : memref<2000xi32, #tpu.memory_space<vmem>>, vector<16xi32>,
        %parallel_loop3A_64 = arith.index_cast %parallel_loop3A_61 : i32 to index
        %parallel_loop3A_65 = tpu.vector_load %arg20[%parallel_loop3A_64] {strides = array<i32>} : memref<2000xf32, #tpu.memory_space<vmem>>, vector<16xf32>,
        tpu.vector_store_idx %arg8[%parallel_loop3A_63], %parallel_loop3A_65 {add = true} : memref<10240xf32, #tpu.memory_space<vmem>>[vector<16xi32>], vector<16xf32>,
        %parallel_loop3A_66 = arith.constant 80 : i32
        %parallel_loop3A_67 = arith.muli %parallel_loop3A_57, %parallel_loop3A_66 : i32
        %parallel_loop3A_68 = arith.constant 16 : i32
        %parallel_loop3A_69 = arith.addi %parallel_loop3A_67, %parallel_loop3A_68 : i32
        %parallel_loop3A_70 = arith.index_cast %parallel_loop3A_69 : i32 to index
        %parallel_loop3A_71 = tpu.vector_load %arg19[%parallel_loop3A_70] {strides = array<i32>} : memref<2000xi32, #tpu.memory_space<vmem>>, vector<16xi32>,
        %parallel_loop3A_72 = arith.index_cast %parallel_loop3A_69 : i32 to index
        %parallel_loop3A_73 = tpu.vector_load %arg20[%parallel_loop3A_72] {strides = array<i32>} : memref<2000xf32, #tpu.memory_space<vmem>>, vector<16xf32>,
        tpu.vector_store_idx %arg10[%parallel_loop3A_71], %parallel_loop3A_73 {add = true} : memref<10240xf32, #tpu.memory_space<vmem>>[vector<16xi32>], vector<16xf32>,
        %parallel_loop3A_74 = arith.constant 80 : i32
        %parallel_loop3A_75 = arith.muli %parallel_loop3A_57, %parallel_loop3A_74 : i32
        %parallel_loop3A_76 = arith.constant 32 : i32
        %parallel_loop3A_77 = arith.addi %parallel_loop3A_75, %parallel_loop3A_76 : i32
        %parallel_loop3A_78 = arith.index_cast %parallel_loop3A_77 : i32 to index
        %parallel_loop3A_79 = tpu.vector_load %arg19[%parallel_loop3A_78] {strides = array<i32>} : memref<2000xi32, #tpu.memory_space<vmem>>, vector<16xi32>,
        %parallel_loop3A_80 = arith.index_cast %parallel_loop3A_77 : i32 to index
        %parallel_loop3A_81 = tpu.vector_load %arg20[%parallel_loop3A_80] {strides = array<i32>} : memref<2000xf32, #tpu.memory_space<vmem>>, vector<16xf32>,
        tpu.vector_store_idx %arg11[%parallel_loop3A_79], %parallel_loop3A_81 {add = true} : memref<10240xf32, #tpu.memory_space<vmem>>[vector<16xi32>], vector<16xf32>,
        %parallel_loop3A_82 = arith.constant 80 : i32
        %parallel_loop3A_83 = arith.muli %parallel_loop3A_57, %parallel_loop3A_82 : i32
        %parallel_loop3A_84 = arith.constant 48 : i32
        %parallel_loop3A_85 = arith.addi %parallel_loop3A_83, %parallel_loop3A_84 : i32
        %parallel_loop3A_86 = arith.index_cast %parallel_loop3A_85 : i32 to index
        %parallel_loop3A_87 = tpu.vector_load %arg19[%parallel_loop3A_86] {strides = array<i32>} : memref<2000xi32, #tpu.memory_space<vmem>>, vector<16xi32>,
        %parallel_loop3A_88 = arith.index_cast %parallel_loop3A_85 : i32 to index
        %parallel_loop3A_89 = tpu.vector_load %arg20[%parallel_loop3A_88] {strides = array<i32>} : memref<2000xf32, #tpu.memory_space<vmem>>, vector<16xf32>,
        tpu.vector_store_idx %arg12[%parallel_loop3A_87], %parallel_loop3A_89 {add = true} : memref<10240xf32, #tpu.memory_space<vmem>>[vector<16xi32>], vector<16xf32>,
        %parallel_loop3A_90 = arith.constant 80 : i32
        %parallel_loop3A_91 = arith.muli %parallel_loop3A_57, %parallel_loop3A_90 : i32
        %parallel_loop3A_92 = arith.constant 64 : i32
        %parallel_loop3A_93 = arith.addi %parallel_loop3A_91, %parallel_loop3A_92 : i32
        %parallel_loop3A_94 = arith.index_cast %parallel_loop3A_93 : i32 to index
        %parallel_loop3A_95 = tpu.vector_load %arg19[%parallel_loop3A_94] {strides = array<i32>} : memref<2000xi32, #tpu.memory_space<vmem>>, vector<16xi32>,
        %parallel_loop3A_96 = arith.index_cast %parallel_loop3A_93 : i32 to index
        %parallel_loop3A_97 = tpu.vector_load %arg20[%parallel_loop3A_96] {strides = array<i32>} : memref<2000xf32, #tpu.memory_space<vmem>>, vector<16xf32>,
        tpu.vector_store_idx %arg10[%parallel_loop3A_95], %parallel_loop3A_97 {add = true} : memref<10240xf32, #tpu.memory_space<vmem>>[vector<16xi32>], vector<16xf32>,
      } {sc.loop_unroll_factor = 2 : i64, sc.parallel_access}
    }
    %scan3A_5 = arith.constant 10 : i32
    %parallel_loop3A_6 = arith.constant 0 : i32
    %parallel_loop3A_7 = arith.constant 640 : i32
    %parallel_loop3A_8 = arith.constant 1 : i32
    scf.for %parallel_loop3A_49 = %parallel_loop3A_6 to %parallel_loop3A_7 step %parallel_loop3A_8  : i32 {
      %parallel_loop3A_50 = arith.constant 16 : i32
      %parallel_loop3A_51 = arith.muli %parallel_loop3A_49, %parallel_loop3A_50 : i32
      %parallel_loop3A_52 = arith.index_cast %parallel_loop3A_51 : i32 to index
      %parallel_loop3A_53 = tpu.vector_load %arg8[%parallel_loop3A_52] {strides = array<i32>} : memref<10240xf32, #tpu.memory_space<vmem>>, vector<16xf32>,
      %parallel_loop3A_54 = arith.index_cast %parallel_loop3A_51 : i32 to index
      %parallel_loop3A_55 = tpu.vector_load %arg10[%parallel_loop3A_54] {strides = array<i32>} : memref<10240xf32, #tpu.memory_space<vmem>>, vector<16xf32>,
      %parallel_loop3A_56 = arith.addf %parallel_loop3A_53, %parallel_loop3A_55 : vector<16xf32>
      %parallel_loop3A_57 = arith.index_cast %parallel_loop3A_51 : i32 to index
      %parallel_loop3A_58 = tpu.vector_load %arg11[%parallel_loop3A_57] {strides = array<i32>} : memref<10240xf32, #tpu.memory_space<vmem>>, vector<16xf32>,
      %parallel_loop3A_59 = arith.index_cast %parallel_loop3A_51 : i32 to index
      %parallel_loop3A_60 = tpu.vector_load %arg12[%parallel_loop3A_59] {strides = array<i32>} : memref<10240xf32, #tpu.memory_space<vmem>>, vector<16xf32>,
      %parallel_loop3A_61 = arith.addf %parallel_loop3A_58, %parallel_loop3A_60 : vector<16xf32>
      %parallel_loop3A_62 = arith.addf %parallel_loop3A_56, %parallel_loop3A_61 : vector<16xf32>
      %parallel_loop3A_63 = arith.index_cast %parallel_loop3A_51 : i32 to index
      %parallel_loop3A_64 = tpu.vector_load %arg8[%parallel_loop3A_63] {strides = array<i32>} : memref<10240xf32, #tpu.memory_space<vmem>>, vector<16xf32>,
      tpu.vector_store %arg8[%parallel_loop3A_63], %parallel_loop3A_62 {strides = array<i32>} : memref<10240xf32, #tpu.memory_space<vmem>>, vector<16xf32>,
    } {sc.loop_unroll_factor = 8 : i64, sc.parallel_access}
    "tpu.trace_stop"() : () -> ()
    "tpu.region"() ({
      %run_scoped3A_49 = tpu.sem_alloc : memref<!tpu.dma_semaphore, #tpu.memory_space<semaphore_mem>>
      %dma_start3A = arith.constant 0 : i32
      %dma_start3A_50 = tpu.memref_slice %arg23[%arg1, %dma_start3A] : memref<16x10240xf32, #tpu.memory_space<vmem_shared>> -> memref<1x10240xf32, #tpu.memory_space<vmem_shared>>
      %dma_start3A_51 = tpu.memref_squeeze %dma_start3A_50 : memref<1x10240xf32, #tpu.memory_space<vmem_shared>> -> memref<10240xf32, #tpu.memory_space<vmem_shared>>
      %dma_start3A_52 = arith.constant 0 : i32
      %dma_start3A_53 = tpu.memref_slice %arg23[%arg1, %dma_start3A_52] : memref<16x10240xf32, #tpu.memory_space<vmem_shared>> -> memref<1x10240xf32, #tpu.memory_space<vmem_shared>>
      %dma_start3A_54 = tpu.memref_squeeze %dma_start3A_53 : memref<1x10240xf32, #tpu.memory_space<vmem_shared>> -> memref<10240xf32, #tpu.memory_space<vmem_shared>>
      tpu.enqueue_dma source(%arg8 : memref<10240xf32, #tpu.memory_space<vmem>>) target(%dma_start3A_54 : memref<10240xf32, #tpu.memory_space<vmem_shared>>) target_semaphore(%run_scoped3A_49 : memref<!tpu.dma_semaphore, #tpu.memory_space<semaphore_mem>>)
      %dma_wait3A = arith.constant 0 : i32
      %dma_wait3A_55 = tpu.memref_slice %arg23[%arg1, %dma_wait3A] : memref<16x10240xf32, #tpu.memory_space<vmem_shared>> -> memref<1x10240xf32, #tpu.memory_space<vmem_shared>>
      %dma_wait3A_56 = tpu.memref_squeeze %dma_wait3A_55 : memref<1x10240xf32, #tpu.memory_space<vmem_shared>> -> memref<10240xf32, #tpu.memory_space<vmem_shared>>
      %dma_wait3A_57 = arith.constant 0 : i32
      %dma_wait3A_58 = tpu.memref_slice %arg23[%arg1, %dma_wait3A_57] : memref<16x10240xf32, #tpu.memory_space<vmem_shared>> -> memref<1x10240xf32, #tpu.memory_space<vmem_shared>>
      %dma_wait3A_59 = tpu.memref_squeeze %dma_wait3A_58 : memref<1x10240xf32, #tpu.memory_space<vmem_shared>> -> memref<10240xf32, #tpu.memory_space<vmem_shared>>
      tpu.wait_dma2 semaphore(%run_scoped3A_49 : memref<!tpu.dma_semaphore, #tpu.memory_space<semaphore_mem>>) src(%arg8 : memref<10240xf32, #tpu.memory_space<vmem>>) dst(%dma_wait3A_59 : memref<10240xf32, #tpu.memory_space<vmem_shared>>)
      tpu.yield
    }) : () -> ()
    %barrier3A = arith.constant 0 : index
    tpu.barrier barrier_id(%barrier3A)
    "tpu.trace_start"() <{level = 10 : i32, message = "ph345_prep"}> : () -> ()
    %mul3A = arith.constant 640 : i32
    %mul3A_9 = arith.muli %arg1, %mul3A : i32
    "tpu.region"() ({
      %run_scoped3A_49 = tpu.sem_alloc : memref<!tpu.dma_semaphore, #tpu.memory_space<semaphore_mem>>
      %dma_start3A = arith.constant 0 : i32
      %dma_start3A_50 = tpu.memref_slice %arg23[%dma_start3A, %mul3A_9] : memref<16x10240xf32, #tpu.memory_space<vmem_shared>> -> memref<16x640xf32, #tpu.memory_space<vmem_shared>>
      %dma_start3A_51 = arith.constant 0 : i32
      %dma_start3A_52 = tpu.memref_slice %arg23[%dma_start3A_51, %mul3A_9] : memref<16x10240xf32, #tpu.memory_space<vmem_shared>> -> memref<16x640xf32, #tpu.memory_space<vmem_shared>>
      tpu.enqueue_dma source(%dma_start3A_52 : memref<16x640xf32, #tpu.memory_space<vmem_shared>>) target(%arg9 : memref<16x640xf32, #tpu.memory_space<vmem>>) target_semaphore(%run_scoped3A_49 : memref<!tpu.dma_semaphore, #tpu.memory_space<semaphore_mem>>)
      %dma_wait3A = arith.constant 0 : i32
      %dma_wait3A_53 = tpu.memref_slice %arg23[%dma_wait3A, %mul3A_9] : memref<16x10240xf32, #tpu.memory_space<vmem_shared>> -> memref<16x640xf32, #tpu.memory_space<vmem_shared>>
      %dma_wait3A_54 = arith.constant 0 : i32
      %dma_wait3A_55 = tpu.memref_slice %arg23[%dma_wait3A_54, %mul3A_9] : memref<16x10240xf32, #tpu.memory_space<vmem_shared>> -> memref<16x640xf32, #tpu.memory_space<vmem_shared>>
      tpu.wait_dma2 semaphore(%run_scoped3A_49 : memref<!tpu.dma_semaphore, #tpu.memory_space<semaphore_mem>>) src(%dma_wait3A_55 : memref<16x640xf32, #tpu.memory_space<vmem_shared>>) dst(%arg9 : memref<16x640xf32, #tpu.memory_space<vmem>>)
      tpu.yield
    }) : () -> ()
    %parallel_loop3A_10 = arith.constant 0 : i32
    %parallel_loop3A_11 = arith.constant 40 : i32
    %parallel_loop3A_12 = arith.constant 1 : i32
    scf.for %parallel_loop3A_49 = %parallel_loop3A_10 to %parallel_loop3A_11 step %parallel_loop3A_12  : i32 {
      %parallel_loop3A_50 = arith.constant 16 : i32
      %parallel_loop3A_51 = arith.muli %parallel_loop3A_49, %parallel_loop3A_50 : i32
      %parallel_loop3A_52 = arith.constant 0 : i32
      %parallel_loop3A_53 = arith.index_cast %parallel_loop3A_52 : i32 to index
      %parallel_loop3A_54 = arith.index_cast %parallel_loop3A_51 : i32 to index
      %parallel_loop3A_55 = tpu.vector_load %arg9[%parallel_loop3A_53, %parallel_loop3A_54] {strides = array<i32>} : memref<16x640xf32, #tpu.memory_space<vmem>>, vector<16xf32>,
      %parallel_loop3A_56 = arith.constant 16 : i32
      %parallel_loop3A_57 = arith.muli %parallel_loop3A_49, %parallel_loop3A_56 : i32
      %parallel_loop3A_58 = arith.constant 1 : i32
      %parallel_loop3A_59 = arith.index_cast %parallel_loop3A_58 : i32 to index
      %parallel_loop3A_60 = arith.index_cast %parallel_loop3A_57 : i32 to index
      %parallel_loop3A_61 = tpu.vector_load %arg9[%parallel_loop3A_59, %parallel_loop3A_60] {strides = array<i32>} : memref<16x640xf32, #tpu.memory_space<vmem>>, vector<16xf32>,
      %parallel_loop3A_62 = arith.addf %parallel_loop3A_55, %parallel_loop3A_61 : vector<16xf32>
      %parallel_loop3A_63 = arith.constant 16 : i32
      %parallel_loop3A_64 = arith.muli %parallel_loop3A_49, %parallel_loop3A_63 : i32
      %parallel_loop3A_65 = arith.constant 2 : i32
      %parallel_loop3A_66 = arith.index_cast %parallel_loop3A_65 : i32 to index
      %parallel_loop3A_67 = arith.index_cast %parallel_loop3A_64 : i32 to index
      %parallel_loop3A_68 = tpu.vector_load %arg9[%parallel_loop3A_66, %parallel_loop3A_67] {strides = array<i32>} : memref<16x640xf32, #tpu.memory_space<vmem>>, vector<16xf32>,
      %parallel_loop3A_69 = arith.addf %parallel_loop3A_62, %parallel_loop3A_68 : vector<16xf32>
      %parallel_loop3A_70 = arith.constant 16 : i32
      %parallel_loop3A_71 = arith.muli %parallel_loop3A_49, %parallel_loop3A_70 : i32
      %parallel_loop3A_72 = arith.constant 3 : i32
      %parallel_loop3A_73 = arith.index_cast %parallel_loop3A_72 : i32 to index
      %parallel_loop3A_74 = arith.index_cast %parallel_loop3A_71 : i32 to index
      %parallel_loop3A_75 = tpu.vector_load %arg9[%parallel_loop3A_73, %parallel_loop3A_74] {strides = array<i32>} : memref<16x640xf32, #tpu.memory_space<vmem>>, vector<16xf32>,
      %parallel_loop3A_76 = arith.addf %parallel_loop3A_69, %parallel_loop3A_75 : vector<16xf32>
      %parallel_loop3A_77 = arith.constant 16 : i32
      %parallel_loop3A_78 = arith.muli %parallel_loop3A_49, %parallel_loop3A_77 : i32
      %parallel_loop3A_79 = arith.constant 4 : i32
      %parallel_loop3A_80 = arith.index_cast %parallel_loop3A_79 : i32 to index
      %parallel_loop3A_81 = arith.index_cast %parallel_loop3A_78 : i32 to index
      %parallel_loop3A_82 = tpu.vector_load %arg9[%parallel_loop3A_80, %parallel_loop3A_81] {strides = array<i32>} : memref<16x640xf32, #tpu.memory_space<vmem>>, vector<16xf32>,
      %parallel_loop3A_83 = arith.addf %parallel_loop3A_76, %parallel_loop3A_82 : vector<16xf32>
      %parallel_loop3A_84 = arith.constant 16 : i32
      %parallel_loop3A_85 = arith.muli %parallel_loop3A_49, %parallel_loop3A_84 : i32
      %parallel_loop3A_86 = arith.constant 5 : i32
      %parallel_loop3A_87 = arith.index_cast %parallel_loop3A_86 : i32 to index
      %parallel_loop3A_88 = arith.index_cast %parallel_loop3A_85 : i32 to index
      %parallel_loop3A_89 = tpu.vector_load %arg9[%parallel_loop3A_87, %parallel_loop3A_88] {strides = array<i32>} : memref<16x640xf32, #tpu.memory_space<vmem>>, vector<16xf32>,
      %parallel_loop3A_90 = arith.addf %parallel_loop3A_83, %parallel_loop3A_89 : vector<16xf32>
      %parallel_loop3A_91 = arith.constant 16 : i32
      %parallel_loop3A_92 = arith.muli %parallel_loop3A_49, %parallel_loop3A_91 : i32
      %parallel_loop3A_93 = arith.constant 6 : i32
      %parallel_loop3A_94 = arith.index_cast %parallel_loop3A_93 : i32 to index
      %parallel_loop3A_95 = arith.index_cast %parallel_loop3A_92 : i32 to index
      %parallel_loop3A_96 = tpu.vector_load %arg9[%parallel_loop3A_94, %parallel_loop3A_95] {strides = array<i32>} : memref<16x640xf32, #tpu.memory_space<vmem>>, vector<16xf32>,
      %parallel_loop3A_97 = arith.addf %parallel_loop3A_90, %parallel_loop3A_96 : vector<16xf32>
      %parallel_loop3A_98 = arith.constant 16 : i32
      %parallel_loop3A_99 = arith.muli %parallel_loop3A_49, %parallel_loop3A_98 : i32
      %parallel_loop3A_100 = arith.constant 7 : i32
      %parallel_loop3A_101 = arith.index_cast %parallel_loop3A_100 : i32 to index
      %parallel_loop3A_102 = arith.index_cast %parallel_loop3A_99 : i32 to index
      %parallel_loop3A_103 = tpu.vector_load %arg9[%parallel_loop3A_101, %parallel_loop3A_102] {strides = array<i32>} : memref<16x640xf32, #tpu.memory_space<vmem>>, vector<16xf32>,
      %parallel_loop3A_104 = arith.addf %parallel_loop3A_97, %parallel_loop3A_103 : vector<16xf32>
      %parallel_loop3A_105 = arith.constant 16 : i32
      %parallel_loop3A_106 = arith.muli %parallel_loop3A_49, %parallel_loop3A_105 : i32
      %parallel_loop3A_107 = arith.constant 8 : i32
      %parallel_loop3A_108 = arith.index_cast %parallel_loop3A_107 : i32 to index
      %parallel_loop3A_109 = arith.index_cast %parallel_loop3A_106 : i32 to index
      %parallel_loop3A_110 = tpu.vector_load %arg9[%parallel_loop3A_108, %parallel_loop3A_109] {strides = array<i32>} : memref<16x640xf32, #tpu.memory_space<vmem>>, vector<16xf32>,
      %parallel_loop3A_111 = arith.addf %parallel_loop3A_104, %parallel_loop3A_110 : vector<16xf32>
      %parallel_loop3A_112 = arith.constant 16 : i32
      %parallel_loop3A_113 = arith.muli %parallel_loop3A_49, %parallel_loop3A_112 : i32
      %parallel_loop3A_114 = arith.constant 9 : i32
      %parallel_loop3A_115 = arith.index_cast %parallel_loop3A_114 : i32 to index
      %parallel_loop3A_116 = arith.index_cast %parallel_loop3A_113 : i32 to index
      %parallel_loop3A_117 = tpu.vector_load %arg9[%parallel_loop3A_115, %parallel_loop3A_116] {strides = array<i32>} : memref<16x640xf32, #tpu.memory_space<vmem>>, vector<16xf32>,
      %parallel_loop3A_118 = arith.addf %parallel_loop3A_111, %parallel_loop3A_117 : vector<16xf32>
      %parallel_loop3A_119 = arith.constant 16 : i32
      %parallel_loop3A_120 = arith.muli %parallel_loop3A_49, %parallel_loop3A_119 : i32
      %parallel_loop3A_121 = arith.constant 10 : i32
      %parallel_loop3A_122 = arith.index_cast %parallel_loop3A_121 : i32 to index
      %parallel_loop3A_123 = arith.index_cast %parallel_loop3A_120 : i32 to index
      %parallel_loop3A_124 = tpu.vector_load %arg9[%parallel_loop3A_122, %parallel_loop3A_123] {strides = array<i32>} : memref<16x640xf32, #tpu.memory_space<vmem>>, vector<16xf32>,
      %parallel_loop3A_125 = arith.addf %parallel_loop3A_118, %parallel_loop3A_124 : vector<16xf32>
      %parallel_loop3A_126 = arith.constant 16 : i32
      %parallel_loop3A_127 = arith.muli %parallel_loop3A_49, %parallel_loop3A_126 : i32
      %parallel_loop3A_128 = arith.constant 11 : i32
      %parallel_loop3A_129 = arith.index_cast %parallel_loop3A_128 : i32 to index
      %parallel_loop3A_130 = arith.index_cast %parallel_loop3A_127 : i32 to index
      %parallel_loop3A_131 = tpu.vector_load %arg9[%parallel_loop3A_129, %parallel_loop3A_130] {strides = array<i32>} : memref<16x640xf32, #tpu.memory_space<vmem>>, vector<16xf32>,
      %parallel_loop3A_132 = arith.addf %parallel_loop3A_125, %parallel_loop3A_131 : vector<16xf32>
      %parallel_loop3A_133 = arith.constant 16 : i32
      %parallel_loop3A_134 = arith.muli %parallel_loop3A_49, %parallel_loop3A_133 : i32
      %parallel_loop3A_135 = arith.constant 12 : i32
      %parallel_loop3A_136 = arith.index_cast %parallel_loop3A_135 : i32 to index
      %parallel_loop3A_137 = arith.index_cast %parallel_loop3A_134 : i32 to index
      %parallel_loop3A_138 = tpu.vector_load %arg9[%parallel_loop3A_136, %parallel_loop3A_137] {strides = array<i32>} : memref<16x640xf32, #tpu.memory_space<vmem>>, vector<16xf32>,
      %parallel_loop3A_139 = arith.addf %parallel_loop3A_132, %parallel_loop3A_138 : vector<16xf32>
      %parallel_loop3A_140 = arith.constant 16 : i32
      %parallel_loop3A_141 = arith.muli %parallel_loop3A_49, %parallel_loop3A_140 : i32
      %parallel_loop3A_142 = arith.constant 13 : i32
      %parallel_loop3A_143 = arith.index_cast %parallel_loop3A_142 : i32 to index
      %parallel_loop3A_144 = arith.index_cast %parallel_loop3A_141 : i32 to index
      %parallel_loop3A_145 = tpu.vector_load %arg9[%parallel_loop3A_143, %parallel_loop3A_144] {strides = array<i32>} : memref<16x640xf32, #tpu.memory_space<vmem>>, vector<16xf32>,
      %parallel_loop3A_146 = arith.addf %parallel_loop3A_139, %parallel_loop3A_145 : vector<16xf32>
      %parallel_loop3A_147 = arith.constant 16 : i32
      %parallel_loop3A_148 = arith.muli %parallel_loop3A_49, %parallel_loop3A_147 : i32
      %parallel_loop3A_149 = arith.constant 14 : i32
      %parallel_loop3A_150 = arith.index_cast %parallel_loop3A_149 : i32 to index
      %parallel_loop3A_151 = arith.index_cast %parallel_loop3A_148 : i32 to index
      %parallel_loop3A_152 = tpu.vector_load %arg9[%parallel_loop3A_150, %parallel_loop3A_151] {strides = array<i32>} : memref<16x640xf32, #tpu.memory_space<vmem>>, vector<16xf32>,
      %parallel_loop3A_153 = arith.addf %parallel_loop3A_146, %parallel_loop3A_152 : vector<16xf32>
      %parallel_loop3A_154 = arith.constant 16 : i32
      %parallel_loop3A_155 = arith.muli %parallel_loop3A_49, %parallel_loop3A_154 : i32
      %parallel_loop3A_156 = arith.constant 15 : i32
      %parallel_loop3A_157 = arith.index_cast %parallel_loop3A_156 : i32 to index
      %parallel_loop3A_158 = arith.index_cast %parallel_loop3A_155 : i32 to index
      %parallel_loop3A_159 = tpu.vector_load %arg9[%parallel_loop3A_157, %parallel_loop3A_158] {strides = array<i32>} : memref<16x640xf32, #tpu.memory_space<vmem>>, vector<16xf32>,
      %parallel_loop3A_160 = arith.addf %parallel_loop3A_153, %parallel_loop3A_159 : vector<16xf32>
      %parallel_loop3A_161 = arith.constant 1.000000e+00 : f32
      %parallel_loop3A_162 = vector.broadcast %parallel_loop3A_161 : f32 to vector<16xf32>
      %parallel_loop3A_163 = arith.addf %parallel_loop3A_160, %parallel_loop3A_162 : vector<16xf32>
      %parallel_loop3A_164 = vector.bitcast %parallel_loop3A_163 : vector<16xf32> to vector<16xi32>
      %parallel_loop3A_165 = arith.constant 1 : i32
      %parallel_loop3A_166 = vector.broadcast %parallel_loop3A_165 : i32 to vector<16xi32>
      %parallel_loop3A_167 = arith.shrui %parallel_loop3A_164, %parallel_loop3A_166 : vector<16xi32>
      %parallel_loop3A_168 = arith.constant 1597463007 : i32
      %parallel_loop3A_169 = vector.broadcast %parallel_loop3A_168 : i32 to vector<16xi32>
      %parallel_loop3A_170 = arith.subi %parallel_loop3A_169, %parallel_loop3A_167 : vector<16xi32>
      %parallel_loop3A_171 = vector.bitcast %parallel_loop3A_170 : vector<16xi32> to vector<16xf32>
      %parallel_loop3A_172 = arith.constant 5.000000e-01 : f32
      %parallel_loop3A_173 = vector.broadcast %parallel_loop3A_172 : f32 to vector<16xf32>
      %parallel_loop3A_174 = arith.mulf %parallel_loop3A_173, %parallel_loop3A_163 : vector<16xf32>
      %parallel_loop3A_175 = arith.mulf %parallel_loop3A_174, %parallel_loop3A_171 : vector<16xf32>
      %parallel_loop3A_176 = arith.mulf %parallel_loop3A_175, %parallel_loop3A_171 : vector<16xf32>
      %parallel_loop3A_177 = arith.constant 1.500000e+00 : f32
      %parallel_loop3A_178 = vector.broadcast %parallel_loop3A_177 : f32 to vector<16xf32>
      %parallel_loop3A_179 = arith.subf %parallel_loop3A_178, %parallel_loop3A_176 : vector<16xf32>
      %parallel_loop3A_180 = arith.mulf %parallel_loop3A_171, %parallel_loop3A_179 : vector<16xf32>
      %parallel_loop3A_181 = arith.constant 5.000000e-01 : f32
      %parallel_loop3A_182 = vector.broadcast %parallel_loop3A_181 : f32 to vector<16xf32>
      %parallel_loop3A_183 = arith.mulf %parallel_loop3A_182, %parallel_loop3A_163 : vector<16xf32>
      %parallel_loop3A_184 = arith.mulf %parallel_loop3A_183, %parallel_loop3A_180 : vector<16xf32>
      %parallel_loop3A_185 = arith.mulf %parallel_loop3A_184, %parallel_loop3A_180 : vector<16xf32>
      %parallel_loop3A_186 = arith.constant 1.500000e+00 : f32
      %parallel_loop3A_187 = vector.broadcast %parallel_loop3A_186 : f32 to vector<16xf32>
      %parallel_loop3A_188 = arith.subf %parallel_loop3A_187, %parallel_loop3A_185 : vector<16xf32>
      %parallel_loop3A_189 = arith.mulf %parallel_loop3A_180, %parallel_loop3A_188 : vector<16xf32>
      %parallel_loop3A_190 = arith.constant 5.000000e-01 : f32
      %parallel_loop3A_191 = vector.broadcast %parallel_loop3A_190 : f32 to vector<16xf32>
      %parallel_loop3A_192 = arith.mulf %parallel_loop3A_191, %parallel_loop3A_163 : vector<16xf32>
      %parallel_loop3A_193 = arith.mulf %parallel_loop3A_192, %parallel_loop3A_189 : vector<16xf32>
      %parallel_loop3A_194 = arith.mulf %parallel_loop3A_193, %parallel_loop3A_189 : vector<16xf32>
      %parallel_loop3A_195 = arith.constant 1.500000e+00 : f32
      %parallel_loop3A_196 = vector.broadcast %parallel_loop3A_195 : f32 to vector<16xf32>
      %parallel_loop3A_197 = arith.subf %parallel_loop3A_196, %parallel_loop3A_194 : vector<16xf32>
      %parallel_loop3A_198 = arith.mulf %parallel_loop3A_189, %parallel_loop3A_197 : vector<16xf32>
      %parallel_loop3A_199 = arith.constant 16 : i32
      %parallel_loop3A_200 = arith.muli %parallel_loop3A_49, %parallel_loop3A_199 : i32
      %parallel_loop3A_201 = arith.index_cast %parallel_loop3A_200 : i32 to index
      %parallel_loop3A_202 = tpu.vector_load %arg22[%parallel_loop3A_201] {strides = array<i32>} : memref<640xf32, #tpu.memory_space<vmem>>, vector<16xf32>,
      tpu.vector_store %arg22[%parallel_loop3A_201], %parallel_loop3A_198 {strides = array<i32>} : memref<640xf32, #tpu.memory_space<vmem>>, vector<16xf32>,
    } {sc.loop_unroll_factor = 2 : i64, sc.parallel_access}
    %mul3A_13 = arith.constant 4 : i32
    %mul3A_14 = arith.muli %arg0, %mul3A_13 : i32
    %mul3A_15 = arith.constant 640 : i32
    %mul3A_16 = arith.muli %arg1, %mul3A_15 : i32
    "tpu.region"() ({
      %run_scoped3A_49 = tpu.sem_alloc : memref<!tpu.dma_semaphore, #tpu.memory_space<semaphore_mem>>
      %dma_start3A = tpu.memref_slice %arg5[%mul3A_14, %mul3A_16] : memref<8x10240xf32, #tpu.memory_space<hbm>> -> memref<4x640xf32, #tpu.memory_space<hbm>>
      %dma_start3A_50 = tpu.memref_slice %arg5[%mul3A_14, %mul3A_16] : memref<8x10240xf32, #tpu.memory_space<hbm>> -> memref<4x640xf32, #tpu.memory_space<hbm>>
      tpu.enqueue_dma source(%dma_start3A_50 : memref<4x640xf32, #tpu.memory_space<hbm>>) target(%arg21 : memref<4x640xf32, #tpu.memory_space<vmem>>) target_semaphore(%run_scoped3A_49 : memref<!tpu.dma_semaphore, #tpu.memory_space<semaphore_mem>>)
      %dma_wait3A = tpu.memref_slice %arg5[%mul3A_14, %mul3A_16] : memref<8x10240xf32, #tpu.memory_space<hbm>> -> memref<4x640xf32, #tpu.memory_space<hbm>>
      %dma_wait3A_51 = tpu.memref_slice %arg5[%mul3A_14, %mul3A_16] : memref<8x10240xf32, #tpu.memory_space<hbm>> -> memref<4x640xf32, #tpu.memory_space<hbm>>
      tpu.wait_dma2 semaphore(%run_scoped3A_49 : memref<!tpu.dma_semaphore, #tpu.memory_space<semaphore_mem>>) src(%dma_wait3A_51 : memref<4x640xf32, #tpu.memory_space<hbm>>) dst(%arg21 : memref<4x640xf32, #tpu.memory_space<vmem>>)
      tpu.yield
    }) : () -> ()
    %parallel_loop3A_17 = arith.constant 0 : i32
    %parallel_loop3A_18 = arith.constant 40 : i32
    %parallel_loop3A_19 = arith.constant 1 : i32
    scf.for %parallel_loop3A_49 = %parallel_loop3A_17 to %parallel_loop3A_18 step %parallel_loop3A_19  : i32 {
      %parallel_loop3A_50 = arith.constant 16 : i32
      %parallel_loop3A_51 = arith.muli %parallel_loop3A_49, %parallel_loop3A_50 : i32
      %parallel_loop3A_52 = arith.constant 0 : i32
      %parallel_loop3A_53 = arith.index_cast %parallel_loop3A_52 : i32 to index
      %parallel_loop3A_54 = arith.index_cast %parallel_loop3A_51 : i32 to index
      %parallel_loop3A_55 = tpu.vector_load %arg21[%parallel_loop3A_53, %parallel_loop3A_54] {strides = array<i32>} : memref<4x640xf32, #tpu.memory_space<vmem>>, vector<16xf32>,
      %parallel_loop3A_56 = arith.index_cast %parallel_loop3A_51 : i32 to index
      %parallel_loop3A_57 = tpu.vector_load %arg22[%parallel_loop3A_56] {strides = array<i32>} : memref<640xf32, #tpu.memory_space<vmem>>, vector<16xf32>,
      %parallel_loop3A_58 = arith.mulf %parallel_loop3A_55, %parallel_loop3A_57 : vector<16xf32>
      %parallel_loop3A_59 = arith.constant 0 : i32
      %parallel_loop3A_60 = arith.index_cast %parallel_loop3A_59 : i32 to index
      %parallel_loop3A_61 = arith.index_cast %parallel_loop3A_51 : i32 to index
      %parallel_loop3A_62 = tpu.vector_load %arg21[%parallel_loop3A_60, %parallel_loop3A_61] {strides = array<i32>} : memref<4x640xf32, #tpu.memory_space<vmem>>, vector<16xf32>,
      tpu.vector_store %arg21[%parallel_loop3A_60, %parallel_loop3A_61], %parallel_loop3A_58 {strides = array<i32>} : memref<4x640xf32, #tpu.memory_space<vmem>>, vector<16xf32>,
    } {sc.loop_unroll_factor = 4 : i64, sc.parallel_access}
    %parallel_loop3A_20 = arith.constant 0 : i32
    %parallel_loop3A_21 = arith.constant 40 : i32
    %parallel_loop3A_22 = arith.constant 1 : i32
    scf.for %parallel_loop3A_49 = %parallel_loop3A_20 to %parallel_loop3A_21 step %parallel_loop3A_22  : i32 {
      %parallel_loop3A_50 = arith.constant 16 : i32
      %parallel_loop3A_51 = arith.muli %parallel_loop3A_49, %parallel_loop3A_50 : i32
      %parallel_loop3A_52 = arith.constant 1 : i32
      %parallel_loop3A_53 = arith.index_cast %parallel_loop3A_52 : i32 to index
      %parallel_loop3A_54 = arith.index_cast %parallel_loop3A_51 : i32 to index
      %parallel_loop3A_55 = tpu.vector_load %arg21[%parallel_loop3A_53, %parallel_loop3A_54] {strides = array<i32>} : memref<4x640xf32, #tpu.memory_space<vmem>>, vector<16xf32>,
      %parallel_loop3A_56 = arith.index_cast %parallel_loop3A_51 : i32 to index
      %parallel_loop3A_57 = tpu.vector_load %arg22[%parallel_loop3A_56] {strides = array<i32>} : memref<640xf32, #tpu.memory_space<vmem>>, vector<16xf32>,
      %parallel_loop3A_58 = arith.mulf %parallel_loop3A_55, %parallel_loop3A_57 : vector<16xf32>
      %parallel_loop3A_59 = arith.constant 1 : i32
      %parallel_loop3A_60 = arith.index_cast %parallel_loop3A_59 : i32 to index
      %parallel_loop3A_61 = arith.index_cast %parallel_loop3A_51 : i32 to index
      %parallel_loop3A_62 = tpu.vector_load %arg21[%parallel_loop3A_60, %parallel_loop3A_61] {strides = array<i32>} : memref<4x640xf32, #tpu.memory_space<vmem>>, vector<16xf32>,
      tpu.vector_store %arg21[%parallel_loop3A_60, %parallel_loop3A_61], %parallel_loop3A_58 {strides = array<i32>} : memref<4x640xf32, #tpu.memory_space<vmem>>, vector<16xf32>,
    } {sc.loop_unroll_factor = 4 : i64, sc.parallel_access}
    %parallel_loop3A_23 = arith.constant 0 : i32
    %parallel_loop3A_24 = arith.constant 40 : i32
    %parallel_loop3A_25 = arith.constant 1 : i32
    scf.for %parallel_loop3A_49 = %parallel_loop3A_23 to %parallel_loop3A_24 step %parallel_loop3A_25  : i32 {
      %parallel_loop3A_50 = arith.constant 16 : i32
      %parallel_loop3A_51 = arith.muli %parallel_loop3A_49, %parallel_loop3A_50 : i32
      %parallel_loop3A_52 = arith.constant 2 : i32
      %parallel_loop3A_53 = arith.index_cast %parallel_loop3A_52 : i32 to index
      %parallel_loop3A_54 = arith.index_cast %parallel_loop3A_51 : i32 to index
      %parallel_loop3A_55 = tpu.vector_load %arg21[%parallel_loop3A_53, %parallel_loop3A_54] {strides = array<i32>} : memref<4x640xf32, #tpu.memory_space<vmem>>, vector<16xf32>,
      %parallel_loop3A_56 = arith.index_cast %parallel_loop3A_51 : i32 to index
      %parallel_loop3A_57 = tpu.vector_load %arg22[%parallel_loop3A_56] {strides = array<i32>} : memref<640xf32, #tpu.memory_space<vmem>>, vector<16xf32>,
      %parallel_loop3A_58 = arith.mulf %parallel_loop3A_55, %parallel_loop3A_57 : vector<16xf32>
      %parallel_loop3A_59 = arith.constant 2 : i32
      %parallel_loop3A_60 = arith.index_cast %parallel_loop3A_59 : i32 to index
      %parallel_loop3A_61 = arith.index_cast %parallel_loop3A_51 : i32 to index
      %parallel_loop3A_62 = tpu.vector_load %arg21[%parallel_loop3A_60, %parallel_loop3A_61] {strides = array<i32>} : memref<4x640xf32, #tpu.memory_space<vmem>>, vector<16xf32>,
      tpu.vector_store %arg21[%parallel_loop3A_60, %parallel_loop3A_61], %parallel_loop3A_58 {strides = array<i32>} : memref<4x640xf32, #tpu.memory_space<vmem>>, vector<16xf32>,
    } {sc.loop_unroll_factor = 4 : i64, sc.parallel_access}
    %parallel_loop3A_26 = arith.constant 0 : i32
    %parallel_loop3A_27 = arith.constant 40 : i32
    %parallel_loop3A_28 = arith.constant 1 : i32
    scf.for %parallel_loop3A_49 = %parallel_loop3A_26 to %parallel_loop3A_27 step %parallel_loop3A_28  : i32 {
      %parallel_loop3A_50 = arith.constant 16 : i32
      %parallel_loop3A_51 = arith.muli %parallel_loop3A_49, %parallel_loop3A_50 : i32
      %parallel_loop3A_52 = arith.constant 3 : i32
      %parallel_loop3A_53 = arith.index_cast %parallel_loop3A_52 : i32 to index
      %parallel_loop3A_54 = arith.index_cast %parallel_loop3A_51 : i32 to index
      %parallel_loop3A_55 = tpu.vector_load %arg21[%parallel_loop3A_53, %parallel_loop3A_54] {strides = array<i32>} : memref<4x640xf32, #tpu.memory_space<vmem>>, vector<16xf32>,
      %parallel_loop3A_56 = arith.index_cast %parallel_loop3A_51 : i32 to index
      %parallel_loop3A_57 = tpu.vector_load %arg22[%parallel_loop3A_56] {strides = array<i32>} : memref<640xf32, #tpu.memory_space<vmem>>, vector<16xf32>,
      %parallel_loop3A_58 = arith.mulf %parallel_loop3A_55, %parallel_loop3A_57 : vector<16xf32>
      %parallel_loop3A_59 = arith.constant 3 : i32
      %parallel_loop3A_60 = arith.index_cast %parallel_loop3A_59 : i32 to index
      %parallel_loop3A_61 = arith.index_cast %parallel_loop3A_51 : i32 to index
      %parallel_loop3A_62 = tpu.vector_load %arg21[%parallel_loop3A_60, %parallel_loop3A_61] {strides = array<i32>} : memref<4x640xf32, #tpu.memory_space<vmem>>, vector<16xf32>,
      tpu.vector_store %arg21[%parallel_loop3A_60, %parallel_loop3A_61], %parallel_loop3A_58 {strides = array<i32>} : memref<4x640xf32, #tpu.memory_space<vmem>>, vector<16xf32>,
    } {sc.loop_unroll_factor = 4 : i64, sc.parallel_access}
    %mul3A_29 = arith.constant 640 : i32
    %mul3A_30 = arith.muli %arg1, %mul3A_29 : i32
    "tpu.region"() ({
      %run_scoped3A_49 = tpu.sem_alloc : memref<!tpu.dma_semaphore, #tpu.memory_space<semaphore_mem>>
      %dma_start3A = arith.constant 0 : i32
      %dma_start3A_50 = tpu.memref_slice %arg24[%dma_start3A, %mul3A_30] : memref<4x10240xf32, #tpu.memory_space<vmem_shared>> -> memref<4x640xf32, #tpu.memory_space<vmem_shared>>
      %dma_start3A_51 = arith.constant 0 : i32
      %dma_start3A_52 = tpu.memref_slice %arg24[%dma_start3A_51, %mul3A_30] : memref<4x10240xf32, #tpu.memory_space<vmem_shared>> -> memref<4x640xf32, #tpu.memory_space<vmem_shared>>
      tpu.enqueue_dma source(%arg21 : memref<4x640xf32, #tpu.memory_space<vmem>>) target(%dma_start3A_52 : memref<4x640xf32, #tpu.memory_space<vmem_shared>>) target_semaphore(%run_scoped3A_49 : memref<!tpu.dma_semaphore, #tpu.memory_space<semaphore_mem>>)
      %dma_wait3A = arith.constant 0 : i32
      %dma_wait3A_53 = tpu.memref_slice %arg24[%dma_wait3A, %mul3A_30] : memref<4x10240xf32, #tpu.memory_space<vmem_shared>> -> memref<4x640xf32, #tpu.memory_space<vmem_shared>>
      %dma_wait3A_54 = arith.constant 0 : i32
      %dma_wait3A_55 = tpu.memref_slice %arg24[%dma_wait3A_54, %mul3A_30] : memref<4x10240xf32, #tpu.memory_space<vmem_shared>> -> memref<4x640xf32, #tpu.memory_space<vmem_shared>>
      tpu.wait_dma2 semaphore(%run_scoped3A_49 : memref<!tpu.dma_semaphore, #tpu.memory_space<semaphore_mem>>) src(%arg21 : memref<4x640xf32, #tpu.memory_space<vmem>>) dst(%dma_wait3A_55 : memref<4x640xf32, #tpu.memory_space<vmem_shared>>)
      tpu.yield
    }) : () -> ()
    %eq3A = arith.constant 0 : i32
    %eq3A_31 = arith.cmpi eq, %arg0, %eq3A : i32
    %convert_element_type3A = arith.extui %eq3A_31 : i1 to i32
    %cond3A = arith.constant 0 : i32
    %cond3A_32 = arith.cmpi ne, %convert_element_type3A, %cond3A : i32
    scf.if %cond3A_32 {
      %mul3A_49 = arith.constant 640 : i32
      %mul3A_50 = arith.muli %arg1, %mul3A_49 : i32
      %run_scoped3A_51 = arith.constant 0 : i32
      "tpu.region"() ({
        %run_scoped3A_52 = tpu.sem_alloc : memref<!tpu.dma_semaphore, #tpu.memory_space<semaphore_mem>>
        %dma_start3A = tpu.memref_slice %arg7[%run_scoped3A_51, %mul3A_50] : memref<1x10240xf32, #tpu.memory_space<hbm>> -> memref<1x640xf32, #tpu.memory_space<hbm>>
        %dma_start3A_53 = tpu.memref_squeeze %dma_start3A : memref<1x640xf32, #tpu.memory_space<hbm>> -> memref<640xf32, #tpu.memory_space<hbm>>
        %dma_start3A_54 = tpu.memref_slice %arg7[%run_scoped3A_51, %mul3A_50] : memref<1x10240xf32, #tpu.memory_space<hbm>> -> memref<1x640xf32, #tpu.memory_space<hbm>>
        %dma_start3A_55 = tpu.memref_squeeze %dma_start3A_54 : memref<1x640xf32, #tpu.memory_space<hbm>> -> memref<640xf32, #tpu.memory_space<hbm>>
        tpu.enqueue_dma source(%arg22 : memref<640xf32, #tpu.memory_space<vmem>>) target(%dma_start3A_55 : memref<640xf32, #tpu.memory_space<hbm>>) target_semaphore(%run_scoped3A_52 : memref<!tpu.dma_semaphore, #tpu.memory_space<semaphore_mem>>)
        %dma_wait3A = tpu.memref_slice %arg7[%run_scoped3A_51, %mul3A_50] : memref<1x10240xf32, #tpu.memory_space<hbm>> -> memref<1x640xf32, #tpu.memory_space<hbm>>
        %dma_wait3A_56 = tpu.memref_squeeze %dma_wait3A : memref<1x640xf32, #tpu.memory_space<hbm>> -> memref<640xf32, #tpu.memory_space<hbm>>
        %dma_wait3A_57 = tpu.memref_slice %arg7[%run_scoped3A_51, %mul3A_50] : memref<1x10240xf32, #tpu.memory_space<hbm>> -> memref<1x640xf32, #tpu.memory_space<hbm>>
        %dma_wait3A_58 = tpu.memref_squeeze %dma_wait3A_57 : memref<1x640xf32, #tpu.memory_space<hbm>> -> memref<640xf32, #tpu.memory_space<hbm>>
        tpu.wait_dma2 semaphore(%run_scoped3A_52 : memref<!tpu.dma_semaphore, #tpu.memory_space<semaphore_mem>>) src(%arg22 : memref<640xf32, #tpu.memory_space<vmem>>) dst(%dma_wait3A_58 : memref<640xf32, #tpu.memory_space<hbm>>)
        tpu.yield
      }) : () -> ()
    } else {
    }
    %barrier3A_33 = arith.constant 0 : index
    tpu.barrier barrier_id(%barrier3A_33)
    %run_scoped3A = arith.constant 0 : i32
    "tpu.region"() ({
      %run_scoped3A_49 = tpu.sem_alloc : memref<!tpu.dma_semaphore, #tpu.memory_space<semaphore_mem>>
      %dma_start3A = arith.constant 0 : i32
      %dma_start3A_50 = tpu.memref_slice %arg24[%run_scoped3A, %dma_start3A] : memref<4x10240xf32, #tpu.memory_space<vmem_shared>> -> memref<1x10240xf32, #tpu.memory_space<vmem_shared>>
      %dma_start3A_51 = tpu.memref_squeeze %dma_start3A_50 : memref<1x10240xf32, #tpu.memory_space<vmem_shared>> -> memref<10240xf32, #tpu.memory_space<vmem_shared>>
      %dma_start3A_52 = arith.constant 0 : i32
      %dma_start3A_53 = tpu.memref_slice %arg24[%run_scoped3A, %dma_start3A_52] : memref<4x10240xf32, #tpu.memory_space<vmem_shared>> -> memref<1x10240xf32, #tpu.memory_space<vmem_shared>>
      %dma_start3A_54 = tpu.memref_squeeze %dma_start3A_53 : memref<1x10240xf32, #tpu.memory_space<vmem_shared>> -> memref<10240xf32, #tpu.memory_space<vmem_shared>>
      tpu.enqueue_dma source(%dma_start3A_54 : memref<10240xf32, #tpu.memory_space<vmem_shared>>) target(%arg10 : memref<10240xf32, #tpu.memory_space<vmem>>) target_semaphore(%run_scoped3A_49 : memref<!tpu.dma_semaphore, #tpu.memory_space<semaphore_mem>>)
      %dma_wait3A = arith.constant 0 : i32
      %dma_wait3A_55 = tpu.memref_slice %arg24[%run_scoped3A, %dma_wait3A] : memref<4x10240xf32, #tpu.memory_space<vmem_shared>> -> memref<1x10240xf32, #tpu.memory_space<vmem_shared>>
      %dma_wait3A_56 = tpu.memref_squeeze %dma_wait3A_55 : memref<1x10240xf32, #tpu.memory_space<vmem_shared>> -> memref<10240xf32, #tpu.memory_space<vmem_shared>>
      %dma_wait3A_57 = arith.constant 0 : i32
      %dma_wait3A_58 = tpu.memref_slice %arg24[%run_scoped3A, %dma_wait3A_57] : memref<4x10240xf32, #tpu.memory_space<vmem_shared>> -> memref<1x10240xf32, #tpu.memory_space<vmem_shared>>
      %dma_wait3A_59 = tpu.memref_squeeze %dma_wait3A_58 : memref<1x10240xf32, #tpu.memory_space<vmem_shared>> -> memref<10240xf32, #tpu.memory_space<vmem_shared>>
      tpu.wait_dma2 semaphore(%run_scoped3A_49 : memref<!tpu.dma_semaphore, #tpu.memory_space<semaphore_mem>>) src(%dma_wait3A_59 : memref<10240xf32, #tpu.memory_space<vmem_shared>>) dst(%arg10 : memref<10240xf32, #tpu.memory_space<vmem>>)
      tpu.yield
    }) : () -> ()
    %run_scoped3A_34 = arith.constant 1 : i32
    "tpu.region"() ({
      %run_scoped3A_49 = tpu.sem_alloc : memref<!tpu.dma_semaphore, #tpu.memory_space<semaphore_mem>>
      %dma_start3A = arith.constant 0 : i32
      %dma_start3A_50 = tpu.memref_slice %arg24[%run_scoped3A_34, %dma_start3A] : memref<4x10240xf32, #tpu.memory_space<vmem_shared>> -> memref<1x10240xf32, #tpu.memory_space<vmem_shared>>
      %dma_start3A_51 = tpu.memref_squeeze %dma_start3A_50 : memref<1x10240xf32, #tpu.memory_space<vmem_shared>> -> memref<10240xf32, #tpu.memory_space<vmem_shared>>
      %dma_start3A_52 = arith.constant 0 : i32
      %dma_start3A_53 = tpu.memref_slice %arg24[%run_scoped3A_34, %dma_start3A_52] : memref<4x10240xf32, #tpu.memory_space<vmem_shared>> -> memref<1x10240xf32, #tpu.memory_space<vmem_shared>>
      %dma_start3A_54 = tpu.memref_squeeze %dma_start3A_53 : memref<1x10240xf32, #tpu.memory_space<vmem_shared>> -> memref<10240xf32, #tpu.memory_space<vmem_shared>>
      tpu.enqueue_dma source(%dma_start3A_54 : memref<10240xf32, #tpu.memory_space<vmem_shared>>) target(%arg11 : memref<10240xf32, #tpu.memory_space<vmem>>) target_semaphore(%run_scoped3A_49 : memref<!tpu.dma_semaphore, #tpu.memory_space<semaphore_mem>>)
      %dma_wait3A = arith.constant 0 : i32
      %dma_wait3A_55 = tpu.memref_slice %arg24[%run_scoped3A_34, %dma_wait3A] : memref<4x10240xf32, #tpu.memory_space<vmem_shared>> -> memref<1x10240xf32, #tpu.memory_space<vmem_shared>>
      %dma_wait3A_56 = tpu.memref_squeeze %dma_wait3A_55 : memref<1x10240xf32, #tpu.memory_space<vmem_shared>> -> memref<10240xf32, #tpu.memory_space<vmem_shared>>
      %dma_wait3A_57 = arith.constant 0 : i32
      %dma_wait3A_58 = tpu.memref_slice %arg24[%run_scoped3A_34, %dma_wait3A_57] : memref<4x10240xf32, #tpu.memory_space<vmem_shared>> -> memref<1x10240xf32, #tpu.memory_space<vmem_shared>>
      %dma_wait3A_59 = tpu.memref_squeeze %dma_wait3A_58 : memref<1x10240xf32, #tpu.memory_space<vmem_shared>> -> memref<10240xf32, #tpu.memory_space<vmem_shared>>
      tpu.wait_dma2 semaphore(%run_scoped3A_49 : memref<!tpu.dma_semaphore, #tpu.memory_space<semaphore_mem>>) src(%dma_wait3A_59 : memref<10240xf32, #tpu.memory_space<vmem_shared>>) dst(%arg11 : memref<10240xf32, #tpu.memory_space<vmem>>)
      tpu.yield
    }) : () -> ()
    %run_scoped3A_35 = arith.constant 2 : i32
    "tpu.region"() ({
      %run_scoped3A_49 = tpu.sem_alloc : memref<!tpu.dma_semaphore, #tpu.memory_space<semaphore_mem>>
      %dma_start3A = arith.constant 0 : i32
      %dma_start3A_50 = tpu.memref_slice %arg24[%run_scoped3A_35, %dma_start3A] : memref<4x10240xf32, #tpu.memory_space<vmem_shared>> -> memref<1x10240xf32, #tpu.memory_space<vmem_shared>>
      %dma_start3A_51 = tpu.memref_squeeze %dma_start3A_50 : memref<1x10240xf32, #tpu.memory_space<vmem_shared>> -> memref<10240xf32, #tpu.memory_space<vmem_shared>>
      %dma_start3A_52 = arith.constant 0 : i32
      %dma_start3A_53 = tpu.memref_slice %arg24[%run_scoped3A_35, %dma_start3A_52] : memref<4x10240xf32, #tpu.memory_space<vmem_shared>> -> memref<1x10240xf32, #tpu.memory_space<vmem_shared>>
      %dma_start3A_54 = tpu.memref_squeeze %dma_start3A_53 : memref<1x10240xf32, #tpu.memory_space<vmem_shared>> -> memref<10240xf32, #tpu.memory_space<vmem_shared>>
      tpu.enqueue_dma source(%dma_start3A_54 : memref<10240xf32, #tpu.memory_space<vmem_shared>>) target(%arg12 : memref<10240xf32, #tpu.memory_space<vmem>>) target_semaphore(%run_scoped3A_49 : memref<!tpu.dma_semaphore, #tpu.memory_space<semaphore_mem>>)
      %dma_wait3A = arith.constant 0 : i32
      %dma_wait3A_55 = tpu.memref_slice %arg24[%run_scoped3A_35, %dma_wait3A] : memref<4x10240xf32, #tpu.memory_space<vmem_shared>> -> memref<1x10240xf32, #tpu.memory_space<vmem_shared>>
      %dma_wait3A_56 = tpu.memref_squeeze %dma_wait3A_55 : memref<1x10240xf32, #tpu.memory_space<vmem_shared>> -> memref<10240xf32, #tpu.memory_space<vmem_shared>>
      %dma_wait3A_57 = arith.constant 0 : i32
      %dma_wait3A_58 = tpu.memref_slice %arg24[%run_scoped3A_35, %dma_wait3A_57] : memref<4x10240xf32, #tpu.memory_space<vmem_shared>> -> memref<1x10240xf32, #tpu.memory_space<vmem_shared>>
      %dma_wait3A_59 = tpu.memref_squeeze %dma_wait3A_58 : memref<1x10240xf32, #tpu.memory_space<vmem_shared>> -> memref<10240xf32, #tpu.memory_space<vmem_shared>>
      tpu.wait_dma2 semaphore(%run_scoped3A_49 : memref<!tpu.dma_semaphore, #tpu.memory_space<semaphore_mem>>) src(%dma_wait3A_59 : memref<10240xf32, #tpu.memory_space<vmem_shared>>) dst(%arg12 : memref<10240xf32, #tpu.memory_space<vmem>>)
      tpu.yield
    }) : () -> ()
    %run_scoped3A_36 = arith.constant 3 : i32
    "tpu.region"() ({
      %run_scoped3A_49 = tpu.sem_alloc : memref<!tpu.dma_semaphore, #tpu.memory_space<semaphore_mem>>
      %dma_start3A = arith.constant 0 : i32
      %dma_start3A_50 = tpu.memref_slice %arg24[%run_scoped3A_36, %dma_start3A] : memref<4x10240xf32, #tpu.memory_space<vmem_shared>> -> memref<1x10240xf32, #tpu.memory_space<vmem_shared>>
      %dma_start3A_51 = tpu.memref_squeeze %dma_start3A_50 : memref<1x10240xf32, #tpu.memory_space<vmem_shared>> -> memref<10240xf32, #tpu.memory_space<vmem_shared>>
      %dma_start3A_52 = arith.constant 0 : i32
      %dma_start3A_53 = tpu.memref_slice %arg24[%run_scoped3A_36, %dma_start3A_52] : memref<4x10240xf32, #tpu.memory_space<vmem_shared>> -> memref<1x10240xf32, #tpu.memory_space<vmem_shared>>
      %dma_start3A_54 = tpu.memref_squeeze %dma_start3A_53 : memref<1x10240xf32, #tpu.memory_space<vmem_shared>> -> memref<10240xf32, #tpu.memory_space<vmem_shared>>
      tpu.enqueue_dma source(%dma_start3A_54 : memref<10240xf32, #tpu.memory_space<vmem_shared>>) target(%arg13 : memref<10240xf32, #tpu.memory_space<vmem>>) target_semaphore(%run_scoped3A_49 : memref<!tpu.dma_semaphore, #tpu.memory_space<semaphore_mem>>)
      %dma_wait3A = arith.constant 0 : i32
      %dma_wait3A_55 = tpu.memref_slice %arg24[%run_scoped3A_36, %dma_wait3A] : memref<4x10240xf32, #tpu.memory_space<vmem_shared>> -> memref<1x10240xf32, #tpu.memory_space<vmem_shared>>
      %dma_wait3A_56 = tpu.memref_squeeze %dma_wait3A_55 : memref<1x10240xf32, #tpu.memory_space<vmem_shared>> -> memref<10240xf32, #tpu.memory_space<vmem_shared>>
      %dma_wait3A_57 = arith.constant 0 : i32
      %dma_wait3A_58 = tpu.memref_slice %arg24[%run_scoped3A_36, %dma_wait3A_57] : memref<4x10240xf32, #tpu.memory_space<vmem_shared>> -> memref<1x10240xf32, #tpu.memory_space<vmem_shared>>
      %dma_wait3A_59 = tpu.memref_squeeze %dma_wait3A_58 : memref<1x10240xf32, #tpu.memory_space<vmem_shared>> -> memref<10240xf32, #tpu.memory_space<vmem_shared>>
      tpu.wait_dma2 semaphore(%run_scoped3A_49 : memref<!tpu.dma_semaphore, #tpu.memory_space<semaphore_mem>>) src(%dma_wait3A_59 : memref<10240xf32, #tpu.memory_space<vmem_shared>>) dst(%arg13 : memref<10240xf32, #tpu.memory_space<vmem>>)
      tpu.yield
    }) : () -> ()
    %parallel_loop3A_37 = arith.constant 0 : i32
    %parallel_loop3A_38 = arith.constant 640 : i32
    %parallel_loop3A_39 = arith.constant 1 : i32
    "tpu.trace_stop"() : () -> ()
    "tpu.trace_start"() <{level = 10 : i32, message = "ph6_agg"}> : () -> ()
    scf.for %parallel_loop3A_49 = %parallel_loop3A_37 to %parallel_loop3A_38 step %parallel_loop3A_39  : i32 {
      %parallel_loop3A_50 = arith.constant 16 : i32
      %parallel_loop3A_51 = arith.muli %parallel_loop3A_49, %parallel_loop3A_50 : i32
      %parallel_loop3A_52 = arith.constant 0.000000e+00 : f32
      %parallel_loop3A_53 = vector.broadcast %parallel_loop3A_52 : f32 to vector<16xf32>
      %parallel_loop3A_54 = arith.index_cast %parallel_loop3A_51 : i32 to index
      %parallel_loop3A_55 = tpu.vector_load %arg14[%parallel_loop3A_54] {strides = array<i32>} : memref<10240xf32, #tpu.memory_space<vmem>>, vector<16xf32>,
      tpu.vector_store %arg14[%parallel_loop3A_54], %parallel_loop3A_53 {strides = array<i32>} : memref<10240xf32, #tpu.memory_space<vmem>>, vector<16xf32>,
      %parallel_loop3A_56 = arith.index_cast %parallel_loop3A_51 : i32 to index
      %parallel_loop3A_57 = tpu.vector_load %arg15[%parallel_loop3A_56] {strides = array<i32>} : memref<10240xf32, #tpu.memory_space<vmem>>, vector<16xf32>,
      tpu.vector_store %arg15[%parallel_loop3A_56], %parallel_loop3A_53 {strides = array<i32>} : memref<10240xf32, #tpu.memory_space<vmem>>, vector<16xf32>,
      %parallel_loop3A_58 = arith.index_cast %parallel_loop3A_51 : i32 to index
      %parallel_loop3A_59 = tpu.vector_load %arg16[%parallel_loop3A_58] {strides = array<i32>} : memref<10240xf32, #tpu.memory_space<vmem>>, vector<16xf32>,
      tpu.vector_store %arg16[%parallel_loop3A_58], %parallel_loop3A_53 {strides = array<i32>} : memref<10240xf32, #tpu.memory_space<vmem>>, vector<16xf32>,
      %parallel_loop3A_60 = arith.index_cast %parallel_loop3A_51 : i32 to index
      %parallel_loop3A_61 = tpu.vector_load %arg17[%parallel_loop3A_60] {strides = array<i32>} : memref<10240xf32, #tpu.memory_space<vmem>>, vector<16xf32>,
      tpu.vector_store %arg17[%parallel_loop3A_60], %parallel_loop3A_53 {strides = array<i32>} : memref<10240xf32, #tpu.memory_space<vmem>>, vector<16xf32>,
    } {sc.loop_unroll_factor = 8 : i64, sc.parallel_access}
    %scan3A_40 = arith.constant 0 : i32
    %scan3A_41 = arith.constant 10 : i32
    %scan3A_42 = arith.addi %scan3A_40, %scan3A_41 : i32
    %scan3A_43 = arith.constant 1 : i32
    scf.for %scan3A_49 = %scan3A_40 to %scan3A_42 step %scan3A_43  : i32 {
      %mul3A_50 = arith.constant 20000 : i32
      %mul3A_51 = arith.muli %arg1, %mul3A_50 : i32
      %mul3A_52 = arith.constant 2000 : i32
      %mul3A_53 = arith.muli %scan3A_49, %mul3A_52 : i32
      %add3A = arith.addi %mul3A_51, %mul3A_53 : i32
      "tpu.region"() ({
        %run_scoped3A_57 = tpu.sem_alloc : memref<!tpu.dma_semaphore, #tpu.memory_space<semaphore_mem>>
        %dma_start3A = tpu.memref_slice %arg2[%add3A] : memref<320000xi32, #tpu.memory_space<hbm>> -> memref<2000xi32, #tpu.memory_space<hbm>>
        %dma_start3A_58 = tpu.memref_slice %arg2[%add3A] : memref<320000xi32, #tpu.memory_space<hbm>> -> memref<2000xi32, #tpu.memory_space<hbm>>
        tpu.enqueue_dma source(%dma_start3A_58 : memref<2000xi32, #tpu.memory_space<hbm>>) target(%arg18 : memref<2000xi32, #tpu.memory_space<vmem>>) target_semaphore(%run_scoped3A_57 : memref<!tpu.dma_semaphore, #tpu.memory_space<semaphore_mem>>)
        %dma_wait3A = tpu.memref_slice %arg2[%add3A] : memref<320000xi32, #tpu.memory_space<hbm>> -> memref<2000xi32, #tpu.memory_space<hbm>>
        %dma_wait3A_59 = tpu.memref_slice %arg2[%add3A] : memref<320000xi32, #tpu.memory_space<hbm>> -> memref<2000xi32, #tpu.memory_space<hbm>>
        tpu.wait_dma2 semaphore(%run_scoped3A_57 : memref<!tpu.dma_semaphore, #tpu.memory_space<semaphore_mem>>) src(%dma_wait3A_59 : memref<2000xi32, #tpu.memory_space<hbm>>) dst(%arg18 : memref<2000xi32, #tpu.memory_space<vmem>>)
        tpu.yield
      }) : () -> ()
      "tpu.region"() ({
        %run_scoped3A_57 = tpu.sem_alloc : memref<!tpu.dma_semaphore, #tpu.memory_space<semaphore_mem>>
        %dma_start3A = tpu.memref_slice %arg3[%add3A] : memref<320000xi32, #tpu.memory_space<hbm>> -> memref<2000xi32, #tpu.memory_space<hbm>>
        %dma_start3A_58 = tpu.memref_slice %arg3[%add3A] : memref<320000xi32, #tpu.memory_space<hbm>> -> memref<2000xi32, #tpu.memory_space<hbm>>
        tpu.enqueue_dma source(%dma_start3A_58 : memref<2000xi32, #tpu.memory_space<hbm>>) target(%arg19 : memref<2000xi32, #tpu.memory_space<vmem>>) target_semaphore(%run_scoped3A_57 : memref<!tpu.dma_semaphore, #tpu.memory_space<semaphore_mem>>)
        %dma_wait3A = tpu.memref_slice %arg3[%add3A] : memref<320000xi32, #tpu.memory_space<hbm>> -> memref<2000xi32, #tpu.memory_space<hbm>>
        %dma_wait3A_59 = tpu.memref_slice %arg3[%add3A] : memref<320000xi32, #tpu.memory_space<hbm>> -> memref<2000xi32, #tpu.memory_space<hbm>>
        tpu.wait_dma2 semaphore(%run_scoped3A_57 : memref<!tpu.dma_semaphore, #tpu.memory_space<semaphore_mem>>) src(%dma_wait3A_59 : memref<2000xi32, #tpu.memory_space<hbm>>) dst(%arg19 : memref<2000xi32, #tpu.memory_space<vmem>>)
        tpu.yield
      }) : () -> ()
      "tpu.region"() ({
        %run_scoped3A_57 = tpu.sem_alloc : memref<!tpu.dma_semaphore, #tpu.memory_space<semaphore_mem>>
        %dma_start3A = tpu.memref_slice %arg4[%add3A] : memref<320000xf32, #tpu.memory_space<hbm>> -> memref<2000xf32, #tpu.memory_space<hbm>>
        %dma_start3A_58 = tpu.memref_slice %arg4[%add3A] : memref<320000xf32, #tpu.memory_space<hbm>> -> memref<2000xf32, #tpu.memory_space<hbm>>
        tpu.enqueue_dma source(%dma_start3A_58 : memref<2000xf32, #tpu.memory_space<hbm>>) target(%arg20 : memref<2000xf32, #tpu.memory_space<vmem>>) target_semaphore(%run_scoped3A_57 : memref<!tpu.dma_semaphore, #tpu.memory_space<semaphore_mem>>)
        %dma_wait3A = tpu.memref_slice %arg4[%add3A] : memref<320000xf32, #tpu.memory_space<hbm>> -> memref<2000xf32, #tpu.memory_space<hbm>>
        %dma_wait3A_59 = tpu.memref_slice %arg4[%add3A] : memref<320000xf32, #tpu.memory_space<hbm>> -> memref<2000xf32, #tpu.memory_space<hbm>>
        tpu.wait_dma2 semaphore(%run_scoped3A_57 : memref<!tpu.dma_semaphore, #tpu.memory_space<semaphore_mem>>) src(%dma_wait3A_59 : memref<2000xf32, #tpu.memory_space<hbm>>) dst(%arg20 : memref<2000xf32, #tpu.memory_space<vmem>>)
        tpu.yield
      }) : () -> ()
      %parallel_loop3A_54 = arith.constant 0 : i32
      %parallel_loop3A_55 = arith.constant 125 : i32
      %parallel_loop3A_56 = arith.constant 1 : i32
      scf.for %parallel_loop3A_57 = %parallel_loop3A_54 to %parallel_loop3A_55 step %parallel_loop3A_56  : i32 {
        %parallel_loop3A_58 = arith.constant 16 : i32
        %parallel_loop3A_59 = arith.muli %parallel_loop3A_57, %parallel_loop3A_58 : i32
        %parallel_loop3A_60 = arith.index_cast %parallel_loop3A_59 : i32 to index
        %parallel_loop3A_61 = tpu.vector_load %arg18[%parallel_loop3A_60] {strides = array<i32>} : memref<2000xi32, #tpu.memory_space<vmem>>, vector<16xi32>,
        %parallel_loop3A_62 = arith.index_cast %parallel_loop3A_59 : i32 to index
        %parallel_loop3A_63 = tpu.vector_load %arg19[%parallel_loop3A_62] {strides = array<i32>} : memref<2000xi32, #tpu.memory_space<vmem>>, vector<16xi32>,
        %parallel_loop3A_64 = arith.index_cast %parallel_loop3A_59 : i32 to index
        %parallel_loop3A_65 = tpu.vector_load %arg20[%parallel_loop3A_64] {strides = array<i32>} : memref<2000xf32, #tpu.memory_space<vmem>>, vector<16xf32>,
        %parallel_loop3A_66 = tpu.vector_load_idx %arg10[%parallel_loop3A_61] : memref<10240xf32, #tpu.memory_space<vmem>>[vector<16xi32>], vector<16xf32>,
        %parallel_loop3A_67 = arith.mulf %parallel_loop3A_66, %parallel_loop3A_65 : vector<16xf32>
        tpu.vector_store_idx %arg14[%parallel_loop3A_63], %parallel_loop3A_67 {add = true} : memref<10240xf32, #tpu.memory_space<vmem>>[vector<16xi32>], vector<16xf32>,
        %parallel_loop3A_68 = tpu.vector_load_idx %arg11[%parallel_loop3A_61] : memref<10240xf32, #tpu.memory_space<vmem>>[vector<16xi32>], vector<16xf32>,
        %parallel_loop3A_69 = arith.mulf %parallel_loop3A_68, %parallel_loop3A_65 : vector<16xf32>
        tpu.vector_store_idx %arg15[%parallel_loop3A_63], %parallel_loop3A_69 {add = true} : memref<10240xf32, #tpu.memory_space<vmem>>[vector<16xi32>], vector<16xf32>,
        %parallel_loop3A_70 = tpu.vector_load_idx %arg12[%parallel_loop3A_61] : memref<10240xf32, #tpu.memory_space<vmem>>[vector<16xi32>], vector<16xf32>,
        %parallel_loop3A_71 = arith.mulf %parallel_loop3A_70, %parallel_loop3A_65 : vector<16xf32>
        tpu.vector_store_idx %arg16[%parallel_loop3A_63], %parallel_loop3A_71 {add = true} : memref<10240xf32, #tpu.memory_space<vmem>>[vector<16xi32>], vector<16xf32>,
        %parallel_loop3A_72 = tpu.vector_load_idx %arg13[%parallel_loop3A_61] : memref<10240xf32, #tpu.memory_space<vmem>>[vector<16xi32>], vector<16xf32>,
        %parallel_loop3A_73 = arith.mulf %parallel_loop3A_72, %parallel_loop3A_65 : vector<16xf32>
        tpu.vector_store_idx %arg17[%parallel_loop3A_63], %parallel_loop3A_73 {add = true} : memref<10240xf32, #tpu.memory_space<vmem>>[vector<16xi32>], vector<16xf32>,
      } {sc.loop_unroll_factor = 2 : i64, sc.parallel_access}
    }
    %scan3A_44 = arith.constant 10 : i32
    %run_scoped3A_45 = arith.constant 0 : i32
    "tpu.trace_stop"() : () -> ()
    "tpu.trace_start"() <{level = 10 : i32, message = "ph7_out"}> : () -> ()
    "tpu.region"() ({
      %run_scoped3A_49 = tpu.sem_alloc : memref<!tpu.dma_semaphore, #tpu.memory_space<semaphore_mem>>
      %dma_start3A = arith.constant 0 : i32
      %dma_start3A_50 = tpu.memref_slice %arg6[%arg0, %arg1, %run_scoped3A_45, %dma_start3A] : memref<2x16x4x10240xf32, #tpu.memory_space<hbm>> -> memref<1x1x1x10240xf32, #tpu.memory_space<hbm>>
      %dma_start3A_51 = tpu.memref_squeeze %dma_start3A_50 : memref<1x1x1x10240xf32, #tpu.memory_space<hbm>> -> memref<10240xf32, #tpu.memory_space<hbm>>
      %dma_start3A_52 = arith.constant 0 : i32
      %dma_start3A_53 = tpu.memref_slice %arg6[%arg0, %arg1, %run_scoped3A_45, %dma_start3A_52] : memref<2x16x4x10240xf32, #tpu.memory_space<hbm>> -> memref<1x1x1x10240xf32, #tpu.memory_space<hbm>>
      %dma_start3A_54 = tpu.memref_squeeze %dma_start3A_53 : memref<1x1x1x10240xf32, #tpu.memory_space<hbm>> -> memref<10240xf32, #tpu.memory_space<hbm>>
      tpu.enqueue_dma source(%arg14 : memref<10240xf32, #tpu.memory_space<vmem>>) target(%dma_start3A_54 : memref<10240xf32, #tpu.memory_space<hbm>>) target_semaphore(%run_scoped3A_49 : memref<!tpu.dma_semaphore, #tpu.memory_space<semaphore_mem>>)
      %dma_wait3A = arith.constant 0 : i32
      %dma_wait3A_55 = tpu.memref_slice %arg6[%arg0, %arg1, %run_scoped3A_45, %dma_wait3A] : memref<2x16x4x10240xf32, #tpu.memory_space<hbm>> -> memref<1x1x1x10240xf32, #tpu.memory_space<hbm>>
      %dma_wait3A_56 = tpu.memref_squeeze %dma_wait3A_55 : memref<1x1x1x10240xf32, #tpu.memory_space<hbm>> -> memref<10240xf32, #tpu.memory_space<hbm>>
      %dma_wait3A_57 = arith.constant 0 : i32
      %dma_wait3A_58 = tpu.memref_slice %arg6[%arg0, %arg1, %run_scoped3A_45, %dma_wait3A_57] : memref<2x16x4x10240xf32, #tpu.memory_space<hbm>> -> memref<1x1x1x10240xf32, #tpu.memory_space<hbm>>
      %dma_wait3A_59 = tpu.memref_squeeze %dma_wait3A_58 : memref<1x1x1x10240xf32, #tpu.memory_space<hbm>> -> memref<10240xf32, #tpu.memory_space<hbm>>
      tpu.wait_dma2 semaphore(%run_scoped3A_49 : memref<!tpu.dma_semaphore, #tpu.memory_space<semaphore_mem>>) src(%arg14 : memref<10240xf32, #tpu.memory_space<vmem>>) dst(%dma_wait3A_59 : memref<10240xf32, #tpu.memory_space<hbm>>)
      tpu.yield
    }) : () -> ()
    %run_scoped3A_46 = arith.constant 1 : i32
    "tpu.region"() ({
      %run_scoped3A_49 = tpu.sem_alloc : memref<!tpu.dma_semaphore, #tpu.memory_space<semaphore_mem>>
      %dma_start3A = arith.constant 0 : i32
      %dma_start3A_50 = tpu.memref_slice %arg6[%arg0, %arg1, %run_scoped3A_46, %dma_start3A] : memref<2x16x4x10240xf32, #tpu.memory_space<hbm>> -> memref<1x1x1x10240xf32, #tpu.memory_space<hbm>>
      %dma_start3A_51 = tpu.memref_squeeze %dma_start3A_50 : memref<1x1x1x10240xf32, #tpu.memory_space<hbm>> -> memref<10240xf32, #tpu.memory_space<hbm>>
      %dma_start3A_52 = arith.constant 0 : i32
      %dma_start3A_53 = tpu.memref_slice %arg6[%arg0, %arg1, %run_scoped3A_46, %dma_start3A_52] : memref<2x16x4x10240xf32, #tpu.memory_space<hbm>> -> memref<1x1x1x10240xf32, #tpu.memory_space<hbm>>
      %dma_start3A_54 = tpu.memref_squeeze %dma_start3A_53 : memref<1x1x1x10240xf32, #tpu.memory_space<hbm>> -> memref<10240xf32, #tpu.memory_space<hbm>>
      tpu.enqueue_dma source(%arg15 : memref<10240xf32, #tpu.memory_space<vmem>>) target(%dma_start3A_54 : memref<10240xf32, #tpu.memory_space<hbm>>) target_semaphore(%run_scoped3A_49 : memref<!tpu.dma_semaphore, #tpu.memory_space<semaphore_mem>>)
      %dma_wait3A = arith.constant 0 : i32
      %dma_wait3A_55 = tpu.memref_slice %arg6[%arg0, %arg1, %run_scoped3A_46, %dma_wait3A] : memref<2x16x4x10240xf32, #tpu.memory_space<hbm>> -> memref<1x1x1x10240xf32, #tpu.memory_space<hbm>>
      %dma_wait3A_56 = tpu.memref_squeeze %dma_wait3A_55 : memref<1x1x1x10240xf32, #tpu.memory_space<hbm>> -> memref<10240xf32, #tpu.memory_space<hbm>>
      %dma_wait3A_57 = arith.constant 0 : i32
      %dma_wait3A_58 = tpu.memref_slice %arg6[%arg0, %arg1, %run_scoped3A_46, %dma_wait3A_57] : memref<2x16x4x10240xf32, #tpu.memory_space<hbm>> -> memref<1x1x1x10240xf32, #tpu.memory_space<hbm>>
      %dma_wait3A_59 = tpu.memref_squeeze %dma_wait3A_58 : memref<1x1x1x10240xf32, #tpu.memory_space<hbm>> -> memref<10240xf32, #tpu.memory_space<hbm>>
      tpu.wait_dma2 semaphore(%run_scoped3A_49 : memref<!tpu.dma_semaphore, #tpu.memory_space<semaphore_mem>>) src(%arg15 : memref<10240xf32, #tpu.memory_space<vmem>>) dst(%dma_wait3A_59 : memref<10240xf32, #tpu.memory_space<hbm>>)
      tpu.yield
    }) : () -> ()
    %run_scoped3A_47 = arith.constant 2 : i32
    "tpu.region"() ({
      %run_scoped3A_49 = tpu.sem_alloc : memref<!tpu.dma_semaphore, #tpu.memory_space<semaphore_mem>>
      %dma_start3A = arith.constant 0 : i32
      %dma_start3A_50 = tpu.memref_slice %arg6[%arg0, %arg1, %run_scoped3A_47, %dma_start3A] : memref<2x16x4x10240xf32, #tpu.memory_space<hbm>> -> memref<1x1x1x10240xf32, #tpu.memory_space<hbm>>
      %dma_start3A_51 = tpu.memref_squeeze %dma_start3A_50 : memref<1x1x1x10240xf32, #tpu.memory_space<hbm>> -> memref<10240xf32, #tpu.memory_space<hbm>>
      %dma_start3A_52 = arith.constant 0 : i32
      %dma_start3A_53 = tpu.memref_slice %arg6[%arg0, %arg1, %run_scoped3A_47, %dma_start3A_52] : memref<2x16x4x10240xf32, #tpu.memory_space<hbm>> -> memref<1x1x1x10240xf32, #tpu.memory_space<hbm>>
      %dma_start3A_54 = tpu.memref_squeeze %dma_start3A_53 : memref<1x1x1x10240xf32, #tpu.memory_space<hbm>> -> memref<10240xf32, #tpu.memory_space<hbm>>
      tpu.enqueue_dma source(%arg16 : memref<10240xf32, #tpu.memory_space<vmem>>) target(%dma_start3A_54 : memref<10240xf32, #tpu.memory_space<hbm>>) target_semaphore(%run_scoped3A_49 : memref<!tpu.dma_semaphore, #tpu.memory_space<semaphore_mem>>)
      %dma_wait3A = arith.constant 0 : i32
      %dma_wait3A_55 = tpu.memref_slice %arg6[%arg0, %arg1, %run_scoped3A_47, %dma_wait3A] : memref<2x16x4x10240xf32, #tpu.memory_space<hbm>> -> memref<1x1x1x10240xf32, #tpu.memory_space<hbm>>
      %dma_wait3A_56 = tpu.memref_squeeze %dma_wait3A_55 : memref<1x1x1x10240xf32, #tpu.memory_space<hbm>> -> memref<10240xf32, #tpu.memory_space<hbm>>
      %dma_wait3A_57 = arith.constant 0 : i32
      %dma_wait3A_58 = tpu.memref_slice %arg6[%arg0, %arg1, %run_scoped3A_47, %dma_wait3A_57] : memref<2x16x4x10240xf32, #tpu.memory_space<hbm>> -> memref<1x1x1x10240xf32, #tpu.memory_space<hbm>>
      %dma_wait3A_59 = tpu.memref_squeeze %dma_wait3A_58 : memref<1x1x1x10240xf32, #tpu.memory_space<hbm>> -> memref<10240xf32, #tpu.memory_space<hbm>>
      tpu.wait_dma2 semaphore(%run_scoped3A_49 : memref<!tpu.dma_semaphore, #tpu.memory_space<semaphore_mem>>) src(%arg16 : memref<10240xf32, #tpu.memory_space<vmem>>) dst(%dma_wait3A_59 : memref<10240xf32, #tpu.memory_space<hbm>>)
      tpu.yield
    }) : () -> ()
    %run_scoped3A_48 = arith.constant 3 : i32
    "tpu.region"() ({
      %run_scoped3A_49 = tpu.sem_alloc : memref<!tpu.dma_semaphore, #tpu.memory_space<semaphore_mem>>
      %dma_start3A = arith.constant 0 : i32
      %dma_start3A_50 = tpu.memref_slice %arg6[%arg0, %arg1, %run_scoped3A_48, %dma_start3A] : memref<2x16x4x10240xf32, #tpu.memory_space<hbm>> -> memref<1x1x1x10240xf32, #tpu.memory_space<hbm>>
      %dma_start3A_51 = tpu.memref_squeeze %dma_start3A_50 : memref<1x1x1x10240xf32, #tpu.memory_space<hbm>> -> memref<10240xf32, #tpu.memory_space<hbm>>
      %dma_start3A_52 = arith.constant 0 : i32
      %dma_start3A_53 = tpu.memref_slice %arg6[%arg0, %arg1, %run_scoped3A_48, %dma_start3A_52] : memref<2x16x4x10240xf32, #tpu.memory_space<hbm>> -> memref<1x1x1x10240xf32, #tpu.memory_space<hbm>>
      %dma_start3A_54 = tpu.memref_squeeze %dma_start3A_53 : memref<1x1x1x10240xf32, #tpu.memory_space<hbm>> -> memref<10240xf32, #tpu.memory_space<hbm>>
      tpu.enqueue_dma source(%arg17 : memref<10240xf32, #tpu.memory_space<vmem>>) target(%dma_start3A_54 : memref<10240xf32, #tpu.memory_space<hbm>>) target_semaphore(%run_scoped3A_49 : memref<!tpu.dma_semaphore, #tpu.memory_space<semaphore_mem>>)
      %dma_wait3A = arith.constant 0 : i32
      %dma_wait3A_55 = tpu.memref_slice %arg6[%arg0, %arg1, %run_scoped3A_48, %dma_wait3A] : memref<2x16x4x10240xf32, #tpu.memory_space<hbm>> -> memref<1x1x1x10240xf32, #tpu.memory_space<hbm>>
      %dma_wait3A_56 = tpu.memref_squeeze %dma_wait3A_55 : memref<1x1x1x10240xf32, #tpu.memory_space<hbm>> -> memref<10240xf32, #tpu.memory_space<hbm>>
      %dma_wait3A_57 = arith.constant 0 : i32
      %dma_wait3A_58 = tpu.memref_slice %arg6[%arg0, %arg1, %run_scoped3A_48, %dma_wait3A_57] : memref<2x16x4x10240xf32, #tpu.memory_space<hbm>> -> memref<1x1x1x10240xf32, #tpu.memory_space<hbm>>
      %dma_wait3A_59 = tpu.memref_squeeze %dma_wait3A_58 : memref<1x1x1x10240xf32, #tpu.memory_space<hbm>> -> memref<10240xf32, #tpu.memory_space<hbm>>
      tpu.wait_dma2 semaphore(%run_scoped3A_49 : memref<!tpu.dma_semaphore, #tpu.memory_space<semaphore_mem>>) src(%arg17 : memref<10240xf32, #tpu.memory_space<vmem>>) dst(%dma_wait3A_59 : memref<10240xf32, #tpu.memory_space<hbm>>)
      tpu.yield
    }) : () -> ()
    "tpu.trace_stop"() : () -> ()
    return
  }
}

module attributes {stable_mosaic.version = 14 : i64} {
  func.func @_tail_body(%arg0: i32, %arg1: memref<2x16x4x1024xf32, #tpu.memory_space<vmem>>, %arg2: memref<8x1024xf32, #tpu.memory_space<vmem>>, %arg3: memref<1x1024xf32, #tpu.memory_space<vmem>>, %arg4: memref<1x1024xi32, #tpu.memory_space<vmem>>, %arg5: memref<8x512xf32, #tpu.memory_space<vmem>>, %arg6: memref<1x512xf32, #tpu.memory_space<vmem>>, %arg7: memref<512x2xf32, #tpu.memory_space<vmem>>, %arg8: memref<1x2xf32, #tpu.memory_space<vmem>>, %arg9: memref<64x2xf32, #tpu.memory_space<vmem>>, %arg10: memref<64x512xf32, #tpu.memory_space<vmem>>, %arg11: memref<64x1xf32, #tpu.memory_space<vmem>>) attributes {dimension_semantics = [#tpu.dimension_semantics<arbitrary>], iteration_bounds = array<i64: 10>, scalar_prefetch = 0 : i64, scratch_operands = 2 : i64, tpu.core_type = #tpu.core_type<tc>, window_params = [{transform_indices = @transform_0, window_bounds = array<i64: 2, 16, 4, 1024>}, {transform_indices = @transform_1, window_bounds = array<i64: 8, 1024>}, {transform_indices = @transform_2, window_bounds = array<i64: 1, 1024>}, {transform_indices = @transform_3, window_bounds = array<i64: 1, 1024>}, {pipeline_mode = #tpu.pipeline_mode<synchronous>, transform_indices = @transform_4, window_bounds = array<i64: 8, 512>}, {pipeline_mode = #tpu.pipeline_mode<synchronous>, transform_indices = @transform_5, window_bounds = array<i64: 1, 512>}, {pipeline_mode = #tpu.pipeline_mode<synchronous>, transform_indices = @transform_6, window_bounds = array<i64: 512, 2>}, {pipeline_mode = #tpu.pipeline_mode<synchronous>, transform_indices = @transform_7, window_bounds = array<i64: 1, 2>}, {pipeline_mode = #tpu.pipeline_mode<synchronous>, transform_indices = @transform_8, window_bounds = array<i64: 64, 2>}]} {
    %eq3A = arith.constant 0 : i32
    %eq3A_0 = arith.cmpi eq, %arg0, %eq3A : i32
    %convert_element_type3A = arith.extui %eq3A_0 : i1 to i32
    %cond3A = arith.constant 0 : i32
    %cond3A_1 = arith.cmpi ne, %convert_element_type3A, %cond3A : i32
    scf.if %cond3A_1 {
      %broadcast_in_dim3A_56 = arith.constant 0.000000e+00 : f32
      %broadcast_in_dim3A_57 = vector.broadcast %broadcast_in_dim3A_56 : f32 to vector<64x512xf32>
      %swap3A_58 = arith.constant 0 : index
      %swap3A_59 = arith.constant 0 : index
      %swap3A_60 = vector.load %arg10[%swap3A_58, %swap3A_59] : memref<64x512xf32, #tpu.memory_space<vmem>>, vector<64x512xf32>
      tpu.vector_store %arg10[%swap3A_58, %swap3A_59], %broadcast_in_dim3A_57 {strides = array<i32>} : memref<64x512xf32, #tpu.memory_space<vmem>>, vector<64x512xf32>,
      %broadcast_in_dim3A_61 = arith.constant 0.000000e+00 : f32
      %broadcast_in_dim3A_62 = vector.broadcast %broadcast_in_dim3A_61 : f32 to vector<64x1xf32>
      %swap3A_63 = arith.constant 0 : index
      %swap3A_64 = arith.constant 0 : index
      %swap3A_65 = vector.load %arg11[%swap3A_63, %swap3A_64] : memref<64x1xf32, #tpu.memory_space<vmem>>, vector<64x1xf32>
      tpu.vector_store %arg11[%swap3A_63, %swap3A_64], %broadcast_in_dim3A_62 {strides = array<i32>} : memref<64x1xf32, #tpu.memory_space<vmem>>, vector<64x1xf32>,
    } else {
    }
    %get3A = arith.constant 0 : index
    %get3A_2 = arith.constant 0 : index
    %get3A_3 = arith.constant 0 : index
    %get3A_4 = arith.constant 0 : index
    %get3A_5 = vector.load %arg1[%get3A, %get3A_2, %get3A_3, %get3A_4] : memref<2x16x4x1024xf32, #tpu.memory_space<vmem>>, vector<2x16x4x1024xf32>
    %reduce_sum3A = arith.constant dense<0.000000e+00> : vector<2x4x1024xf32>
    %reduce_sum3A_6 = vector.multi_reduction <add>, %get3A_5, %reduce_sum3A [1] : vector<2x16x4x1024xf32> to vector<2x4x1024xf32>
    %reshape3A = vector.shape_cast %reduce_sum3A_6 : vector<2x4x1024xf32> to vector<8x1024xf32>
    %get3A_7 = arith.constant 0 : index
    %get3A_8 = arith.constant 0 : index
    %get3A_9 = vector.load %arg3[%get3A_7, %get3A_8] : memref<1x1024xf32, #tpu.memory_space<vmem>>, vector<1x1024xf32>
    %get3A_10 = arith.constant 0 : index
    %get3A_11 = arith.constant 0 : index
    %get3A_12 = vector.load %arg2[%get3A_10, %get3A_11] : memref<8x1024xf32, #tpu.memory_space<vmem>>, vector<8x1024xf32>
    %mul3A = vector.broadcast %get3A_9 : vector<1x1024xf32> to vector<8x1024xf32>
    %mul3A_13 = arith.mulf %mul3A, %get3A_12 : vector<8x1024xf32>
    %add3A = arith.addf %reshape3A, %mul3A_13 : vector<8x1024xf32>
    %mul3A_14 = vector.broadcast %get3A_9 : vector<1x1024xf32> to vector<8x1024xf32>
    %mul3A_15 = arith.mulf %mul3A_14, %add3A : vector<8x1024xf32>
    %get3A_16 = arith.constant 0 : index
    %get3A_17 = arith.constant 0 : index
    %get3A_18 = vector.load %arg5[%get3A_16, %get3A_17] : memref<8x512xf32, #tpu.memory_space<vmem>>, vector<8x512xf32>
    %dot_general3A = arith.constant dense<0.000000e+00> : vector<1024x512xf32>
    %dot_general3A_19 = tpu.matmul %mul3A_15, %get3A_18, %dot_general3A {dimension_numbers = #tpu.dot_dimension_numbers<[0], [0], [1], [1], [0, 1, 1, 1], [], []>, transpose_lhs_hint = false} : vector<8x1024xf32>, vector<8x512xf32>, vector<1024x512xf32> -> vector<1024x512xf32>
    %get3A_20 = arith.constant 0 : index
    %get3A_21 = arith.constant 0 : index
    %get3A_22 = vector.load %arg6[%get3A_20, %get3A_21] : memref<1x512xf32, #tpu.memory_space<vmem>>, vector<1x512xf32>
    %add3A_23 = vector.broadcast %get3A_22 : vector<1x512xf32> to vector<1024x512xf32>
    %add3A_24 = arith.addf %dot_general3A_19, %add3A_23 : vector<1024x512xf32>
    %max3A = arith.constant 0.000000e+00 : f32
    %max3A_25 = vector.broadcast %max3A : f32 to vector<1024x512xf32>
    %max3A_26 = arith.maximumf %add3A_24, %max3A_25 : vector<1024x512xf32>
    %get3A_27 = arith.constant 0 : index
    %get3A_28 = arith.constant 0 : index
    %get3A_29 = vector.load %arg4[%get3A_27, %get3A_28] : memref<1x1024xi32, #tpu.memory_space<vmem>>, vector<1x1024xi32>
    %iota3A = tpu.iota {dimensions = array<i32: 0>} : vector<64x1024xi32>
    %eq3A_30 = vector.broadcast %get3A_29 : vector<1x1024xi32> to vector<64x1024xi32>
    %eq3A_31 = arith.cmpi eq, %iota3A, %eq3A_30 : vector<64x1024xi32>
    %convert_element_type3A_32 = arith.extui %eq3A_31 : vector<64x1024xi1> to vector<64x1024xi32>
    %convert_element_type3A_33 = arith.sitofp %convert_element_type3A_32 : vector<64x1024xi32> to vector<64x1024xf32>
    %get3A_34 = arith.constant 0 : index
    %get3A_35 = arith.constant 0 : index
    %get3A_36 = vector.load %arg10[%get3A_34, %get3A_35] : memref<64x512xf32, #tpu.memory_space<vmem>>, vector<64x512xf32>
    %dot_general3A_37 = arith.constant dense<0.000000e+00> : vector<64x512xf32>
    %dot_general3A_38 = tpu.matmul %convert_element_type3A_33, %max3A_26, %dot_general3A_37 {dimension_numbers = #tpu.dot_dimension_numbers<[1], [0], [0], [1], [0, 0, 1, 1], [], []>, transpose_lhs_hint = false} : vector<64x1024xf32>, vector<1024x512xf32>, vector<64x512xf32> -> vector<64x512xf32>
    %add3A_39 = arith.addf %get3A_36, %dot_general3A_38 : vector<64x512xf32>
    %swap3A = arith.constant 0 : index
    %swap3A_40 = arith.constant 0 : index
    %swap3A_41 = vector.load %arg10[%swap3A, %swap3A_40] : memref<64x512xf32, #tpu.memory_space<vmem>>, vector<64x512xf32>
    tpu.vector_store %arg10[%swap3A, %swap3A_40], %add3A_39 {strides = array<i32>} : memref<64x512xf32, #tpu.memory_space<vmem>>, vector<64x512xf32>,
    %get3A_42 = arith.constant 0 : index
    %get3A_43 = arith.constant 0 : index
    %get3A_44 = vector.load %arg11[%get3A_42, %get3A_43] : memref<64x1xf32, #tpu.memory_space<vmem>>, vector<64x1xf32>
    %reduce_sum3A_45 = arith.constant dense<0.000000e+00> : vector<64xf32>
    %reduce_sum3A_46 = vector.multi_reduction <add>, %convert_element_type3A_33, %reduce_sum3A_45 [1] : vector<64x1024xf32> to vector<64xf32>
    %broadcast_in_dim3A = vector.shape_cast %reduce_sum3A_46 : vector<64xf32> to vector<64x1xf32>
    %add3A_47 = arith.addf %get3A_44, %broadcast_in_dim3A : vector<64x1xf32>
    %swap3A_48 = arith.constant 0 : index
    %swap3A_49 = arith.constant 0 : index
    %swap3A_50 = vector.load %arg11[%swap3A_48, %swap3A_49] : memref<64x1xf32, #tpu.memory_space<vmem>>, vector<64x1xf32>
    tpu.vector_store %arg11[%swap3A_48, %swap3A_49], %add3A_47 {strides = array<i32>} : memref<64x1xf32, #tpu.memory_space<vmem>>, vector<64x1xf32>,
    %eq3A_51 = arith.constant 9 : i32
    %eq3A_52 = arith.cmpi eq, %arg0, %eq3A_51 : i32
    %convert_element_type3A_53 = arith.extui %eq3A_52 : i1 to i32
    %cond3A_54 = arith.constant 0 : i32
    %cond3A_55 = arith.cmpi ne, %convert_element_type3A_53, %cond3A_54 : i32
    scf.if %cond3A_55 {
      %get3A_56 = arith.constant 0 : index
      %get3A_57 = arith.constant 0 : index
      %get3A_58 = vector.load %arg10[%get3A_56, %get3A_57] : memref<64x512xf32, #tpu.memory_space<vmem>>, vector<64x512xf32>
      %get3A_59 = arith.constant 0 : index
      %get3A_60 = arith.constant 0 : index
      %get3A_61 = vector.load %arg11[%get3A_59, %get3A_60] : memref<64x1xf32, #tpu.memory_space<vmem>>, vector<64x1xf32>
      %max3A_62 = arith.constant 1.000000e+00 : f32
      %max3A_63 = vector.broadcast %max3A_62 : f32 to vector<64x1xf32>
      %max3A_64 = arith.maximumf %get3A_61, %max3A_63 : vector<64x1xf32>
      %div3A = vector.broadcast %max3A_64 : vector<64x1xf32> to vector<64x512xf32>
      %div3A_65 = arith.divf %get3A_58, %div3A : vector<64x512xf32>
      %get3A_66 = arith.constant 0 : index
      %get3A_67 = arith.constant 0 : index
      %get3A_68 = vector.load %arg7[%get3A_66, %get3A_67] : memref<512x2xf32, #tpu.memory_space<vmem>>, vector<512x2xf32>
      %dot_general3A_69 = arith.constant dense<0.000000e+00> : vector<64x2xf32>
      %dot_general3A_70 = tpu.matmul %div3A_65, %get3A_68, %dot_general3A_69 {dimension_numbers = #tpu.dot_dimension_numbers<[1], [0], [0], [1], [0, 0, 1, 1], [], []>, transpose_lhs_hint = false} : vector<64x512xf32>, vector<512x2xf32>, vector<64x2xf32> -> vector<64x2xf32>
      %get3A_71 = arith.constant 0 : index
      %get3A_72 = arith.constant 0 : index
      %get3A_73 = vector.load %arg8[%get3A_71, %get3A_72] : memref<1x2xf32, #tpu.memory_space<vmem>>, vector<1x2xf32>
      %add3A_74 = vector.broadcast %get3A_73 : vector<1x2xf32> to vector<64x2xf32>
      %add3A_75 = arith.addf %dot_general3A_70, %add3A_74 : vector<64x2xf32>
      %reduce_max3A = arith.constant dense<0xFF800000> : vector<64xf32>
      %reduce_max3A_76 = vector.multi_reduction <maximumf>, %add3A_75, %reduce_max3A [1] : vector<64x2xf32> to vector<64xf32>
      %broadcast_in_dim3A_77 = vector.shape_cast %reduce_max3A_76 : vector<64xf32> to vector<64x1xf32>
      %sub3A = vector.broadcast %broadcast_in_dim3A_77 : vector<64x1xf32> to vector<64x2xf32>
      %sub3A_78 = arith.subf %add3A_75, %sub3A : vector<64x2xf32>
      %exp3A = math.exp %sub3A_78 : vector<64x2xf32>
      %reduce_sum3A_79 = arith.constant dense<0.000000e+00> : vector<64xf32>
      %reduce_sum3A_80 = vector.multi_reduction <add>, %exp3A, %reduce_sum3A_79 [1] : vector<64x2xf32> to vector<64xf32>
      %broadcast_in_dim3A_81 = vector.shape_cast %reduce_sum3A_80 : vector<64xf32> to vector<64x1xf32>
      %log3A = math.log %broadcast_in_dim3A_81 : vector<64x1xf32>
      %add3A_82 = arith.addf %broadcast_in_dim3A_77, %log3A : vector<64x1xf32>
      %sub3A_83 = vector.broadcast %add3A_82 : vector<64x1xf32> to vector<64x2xf32>
      %sub3A_84 = arith.subf %add3A_75, %sub3A_83 : vector<64x2xf32>
      %swap3A_85 = arith.constant 0 : index
      %swap3A_86 = arith.constant 0 : index
      %swap3A_87 = vector.load %arg9[%swap3A_85, %swap3A_86] : memref<64x2xf32, #tpu.memory_space<vmem>>, vector<64x2xf32>
      tpu.vector_store %arg9[%swap3A_85, %swap3A_86], %sub3A_84 {strides = array<i32>} : memref<64x2xf32, #tpu.memory_space<vmem>>, vector<64x2xf32>,
    } else {
    }
    return
  }
  func.func @transform_0(%arg0: i32) -> (i32, i32, i32, i32) {
    %c0_i32 = arith.constant 0 : i32
    %c0_i32_0 = arith.constant 0 : i32
    %c0_i32_1 = arith.constant 0 : i32
    %c0_i32_2 = arith.constant 0 : i32
    return %c0_i32, %c0_i32_0, %c0_i32_1, %arg0 : i32, i32, i32, i32
  }
  func.func @transform_1(%arg0: i32) -> (i32, i32) {
    %c0_i32 = arith.constant 0 : i32
    %c0_i32_0 = arith.constant 0 : i32
    return %c0_i32, %arg0 : i32, i32
  }
  func.func @transform_2(%arg0: i32) -> (i32, i32) {
    %c0_i32 = arith.constant 0 : i32
    %c0_i32_0 = arith.constant 0 : i32
    return %c0_i32, %arg0 : i32, i32
  }
  func.func @transform_3(%arg0: i32) -> (i32, i32) {
    %c0_i32 = arith.constant 0 : i32
    %c0_i32_0 = arith.constant 0 : i32
    return %c0_i32, %arg0 : i32, i32
  }
  func.func @transform_4(%arg0: i32) -> (i32, i32) {
    %c0_i32 = arith.constant 0 : i32
    %c0_i32_0 = arith.constant 0 : i32
    %c0_i32_1 = arith.constant 0 : i32
    return %c0_i32, %c0_i32_0 : i32, i32
  }
  func.func @transform_5(%arg0: i32) -> (i32, i32) {
    %c0_i32 = arith.constant 0 : i32
    %c0_i32_0 = arith.constant 0 : i32
    %c0_i32_1 = arith.constant 0 : i32
    return %c0_i32, %c0_i32_0 : i32, i32
  }
  func.func @transform_6(%arg0: i32) -> (i32, i32) {
    %c0_i32 = arith.constant 0 : i32
    %c0_i32_0 = arith.constant 0 : i32
    %c0_i32_1 = arith.constant 0 : i32
    return %c0_i32, %c0_i32_0 : i32, i32
  }
  func.func @transform_7(%arg0: i32) -> (i32, i32) {
    %c0_i32 = arith.constant 0 : i32
    %c0_i32_0 = arith.constant 0 : i32
    %c0_i32_1 = arith.constant 0 : i32
    return %c0_i32, %c0_i32_0 : i32, i32
  }
  func.func @transform_8(%arg0: i32) -> (i32, i32) {
    %c0_i32 = arith.constant 0 : i32
    %c0_i32_0 = arith.constant 0 : i32
    %c0_i32_1 = arith.constant 0 : i32
    return %c0_i32, %c0_i32_0 : i32, i32
  }
}

</mosaic_0001>

<sc_bundles>
// kernel: kernel.4.cloned.1.call-start
scs
__scs_entry_jumppad:
0x0: {  	(pc) =	sbr.rel $0x88, $3  }
0x1: {  	(tag) =	ssettag $0x0;
	lr =	simm.s32 $0x1  }
0x2: {  	[smem:$0x3F99] =	sst lr;
	_ =	strace $0xD0000000  }
0x3: {  	_ = 	snop  }
0x4: {  	_ = 	snop  }
0x5: {  	_ = 	snop  }
0x6: {  	_ = 	snop  }
0x7: {  	_ = 	snop  }
__scs_overlays_trampoline_lowered:
0x8: {  	[smem:$0x3FA8] =	sst s0  }
0x9: {  	[smem:$0x3FA9] =	sst s1  }
0xa: {  	[smem:$0x3FAA] =	sst s2  }
0xb: {  	[smem:$0x3FAB] =	sst s3  }
0xc: {  	[smem:$0x3FAC] =	sst s4  }
0xd: {  	[smem:$0x3FAD] =	sst s5  }
0xe: {  	[smem:$0x3FAE] =	sst s6  }
0xf: {  	[smem:$0x3FAF] =	sst s7  }
0x10: {  	[smem:$0x3FB0] =	sst s8  }
0x11: {  	[smem:$0x3FB1] =	sst s9;
	s0 =	simm.s32 @!p0 $0x0  }
0x12: {  	s1 =	sld [smem:$0x3F97];
	s0 =	simm.s32 @p0 $0x1  }
0x13: {  	[smem:$0x3FB2] =	sst s0;
	s0 =	simm.s32 @!p1 $0x0  }
0x14: {  	s2 =	sld [smem:$0x3F96];
	s0 =	simm.s32 @p1 $0x1  }
0x15: {  	[smem:$0x3FB3] =	sst s0;
	s0 =	simm.s32 @!p2 $0x0  }
0x16: {  	s3 =	sld [smem:$0x3FDB];
	s0 =	simm.s32 @p2 $0x1  }
0x17: {  	s4 =	simm.s32 $0x1BF5;
	[smem:$0x3FB5] =	sst s0  }
0x18: {  	s0 =	sld [smem:$0x3F98];
	_ =	swait.ge [sflag:s4], $0x0  }
0x19: {  	s7 =	sld [smem:$0x3F99]  }
0x1a: {  	s8 =	sadd.s32 $0xFFFFE003, lr  }
0x1b: {  	s9 =	sadd.s32 $0xFFFFFEF7, lr;
	s5 =	simm.s32 $0xFFFFFFFF;
	p2 =	slt.u32 s8, $0xFFFFF086  }
0x1c: {  	p1 =	slt.u32 s9, $0xF7A;
	s5 =	simm.s32 @!p2 $0x0  }
0x1d: {  	s5 =	simm.s32 @p1 $0x1;
	p0 =	seq.s32 s7, s2  }
0x1e: {  	s7 =	smul.u32 @!p0 $0xF7A, s2;
	p2 =	seq.s32 @!p0 s5, $0x0  }
0x1f: {  	s9 =	smul.u32 $0xF7A, s1;
	s8 =	simm.s32 @!p0 $0x1BF5;
	p2 =	por !p2, p0  }
0x20: {  	[sflag:s8] =	ssyncset.s32 @!p0 $0xFFFFF086;
	s6 =	sadd.s32 @!p0 s3, s7;
	s7 =	simm.s32 @!p0 $0x108  }
0x21: {  	s3 =	sadd.s32 s3, s9;
	s6 =	sadd.s32 @!p0 $0x88, s6;
	s7 =	simm.s32 @p2 $0x1082  }
0x22: {  	[simem:s7], [sflag:s8] =	dma.local @!p0 [hbm:s6], $0xF7A  }
0x23: {  	s9 =	sor.u32 $0xD0000000, s2;
	s6 =	simm.s32 $0x108;
	_ =	swait.ge @!p0 [sflag:s8], $0x0  }
0x24: {  	s3 =	sadd.s32 $0x88, s3;
	s6 =	simm.s32 @!p1 $0x1082;
	[sflag:s4] =	ssyncset.s32 $0xFFFFF086  }
0x25: {  	[simem:s6], [sflag:s4] =	dma.local [hbm:s3], $0xF7A  }
0x26: {  	[smem:$0x3F99] =	sst s1;
	(tag) =	ssettag s2;
	_ =	strace s9  }
0x27: {  	s1 =	sld [smem:$0x3FA9]  }
0x28: {  	s2 =	sld [smem:$0x3FAA]  }
0x29: {  	s4 =	sld [smem:$0x3FAC]  }
0x2a: {  	p0 =	seq.s32 s5, $0x0;
	s5 =	sld [smem:$0x3FAD]  }
0x2b: {  	s6 =	sld [smem:$0x3FAE]  }
0x2c: {  	s7 =	sld [smem:$0x3FAF]  }
0x2d: {  	s3 =	simm.s32 $0x108;
	s8 =	sld [smem:$0x3FB0]  }
0x2e: {  	s3 =	simm.s32 @!p0 $0x1082;
	s9 =	sld [smem:$0x3FB1]  }
0x2f: {  	lr =	sadd.s32 s0, s3;
	s0 =	sld [smem:$0x3FA8]  }
0x30: {  	s3 =	sld [smem:$0x3FAB]  }
0x31: {  	[smem:$0x3FB4] =	sst s10  }
0x32: {  	s10 =	sld [smem:$0x3FB2];
	_ =	sdelay $0x3  }
0x33: {  	p0 =	seq.s32 s10, $0x1;
	s10 =	sld [smem:$0x3FB4];
	_ =	sdelay $0x3  }
0x34: {  	[smem:$0x3FB4] =	sst s10  }
0x35: {  	s10 =	sld [smem:$0x3FB3];
	_ =	sdelay $0x3  }
0x36: {  	p1 =	seq.s32 s10, $0x1;
	s10 =	sld [smem:$0x3FB4];
	_ =	sdelay $0x3  }
0x37: {  	[smem:$0x3FB4] =	sst s10  }
0x38: {  	s10 =	sld [smem:$0x3FB5]  }
0x39: {  	_ = 	snop;
	(pc) =	sbr.ind lr, $3  }
0x3a: {  	_ = 	snop  }
0x3b: {  	_ = 	snop  }
0x3c: {  	p2 =	seq.s32 s10, $0x1;
	s10 =	sld [smem:$0x3FB4]  }
0x3d: {  	_ =	shalt  }
0x3e: {  	_ =	shalt  }
0x3f: {  	_ =	shalt  }
0x40: {  	_ =	shalt  }
0x41: {  	_ =	shalt  }
0x42: {  	_ =	shalt  }
0x43: {  	_ =	shalt  }
0x44: {  	_ =	shalt  }
0x45: {  	_ =	shalt  }
0x46: {  	_ =	shalt  }
0x47: {  	_ =	shalt  }
0x48: {  	_ =	shalt  }
0x49: {  	_ =	shalt  }
0x4a: {  	_ =	shalt  }
0x4b: {  	_ =	shalt  }
0x4c: {  	_ =	shalt  }
0x4d: {  	_ =	shalt  }
0x4e: {  	_ =	shalt  }
0x4f: {  	_ =	shalt  }
0x50: {  	_ =	shalt  }
0x51: {  	_ =	shalt  }
0x52: {  	_ =	shalt  }
0x53: {  	_ =	shalt  }
0x54: {  	_ =	shalt  }
0x55: {  	_ =	shalt  }
0x56: {  	_ =	shalt  }
0x57: {  	_ =	shalt  }
0x58: {  	_ =	shalt  }
0x59: {  	_ =	shalt  }
0x5a: {  	_ =	shalt  }
0x5b: {  	_ =	shalt  }
0x5c: {  	_ =	shalt  }
0x5d: {  	_ =	shalt  }
0x5e: {  	_ =	shalt  }
0x5f: {  	_ =	shalt  }
0x60: {  	_ =	shalt  }
0x61: {  	_ =	shalt  }
0x62: {  	_ =	shalt  }
0x63: {  	_ =	shalt  }
0x64: {  	_ =	shalt  }
0x65: {  	_ =	shalt  }
0x66: {  	_ =	shalt  }
0x67: {  	_ =	shalt  }
0x68: {  	_ =	shalt  }
0x69: {  	_ =	shalt  }
0x6a: {  	_ =	shalt  }
0x6b: {  	_ =	shalt  }
0x6c: {  	_ =	shalt  }
0x6d: {  	_ =	shalt  }
0x6e: {  	_ =	shalt  }
0x6f: {  	_ =	shalt  }
0x70: {  	_ =	shalt  }
0x71: {  	_ =	shalt  }
0x72: {  	_ =	shalt  }
0x73: {  	_ =	shalt  }
0x74: {  	_ =	shalt  }
0x75: {  	_ =	shalt  }
0x76: {  	_ =	shalt  }
0x77: {  	_ =	shalt  }
0x78: {  	_ =	shalt  }
0x79: {  	_ =	shalt  }
0x7a: {  	_ =	shalt  }
0x7b: {  	_ =	shalt  }
0x7c: {  	_ =	shalt  }
0x7d: {  	_ =	shalt  }
0x7e: {  	_ =	shalt  }
0x7f: {  	_ =	shalt  }
0x80: {  	_ =	shalt  }
0x81: {  	_ =	shalt  }
0x82: {  	_ =	shalt  }
0x83: {  	_ =	shalt  }
0x84: {  	_ =	shalt  }
0x85: {  	_ =	shalt  }
0x86: {  	_ =	shalt  }
0x87: {  	_ =	shalt  }
.Lfunc_end0:
.L_simem_size_0:
called_computation_lowered:
.L_overlay_start_0:
0x88: {  	s2 =	sld [smem:$0x3FD9]  }
0x89: {  	s3 =	sld [smem:$0x3FFE];
	_ =	sdelay $0x1  }
0x8a: {  	s1 =	srdreg.scid  }
0x8b: {  	s0 =	sand.u32 $0x1, s1  }
0x8c: {  	s17 =	sshll.u32 s0, $0xA;
	s2 =	sadd.s32 s3, s2  }
0x8d: {  	s2 =	sadd.s32 s2, s17  }
0x8e: {  	[smem:$0x3FC0] =	sst s2  }
0x8f: {  	_ = 	snop  }
0x90: {  	s2 =	sld [smem:$0x3FC6];
	(tm) =	ssettm $0x1  }
0x91: {  	s18 =	sld [smem:$0x3FFB];
	_ =	sdelay $0x3  }
0x92: {  	_ =	strace s18  }
0x93: {  	s3 =	sld [smem:$0x3FFC];
	_ =	sdelay $0x3  }
0x94: {  	_ =	strace s3  }
0x95: {  	s3 =	sld [smem:$0x3FFD];
	_ =	sdelay $0x3  }
0x96: {  	_ =	strace s3  }
0x97: {  	_ =	strace $0x8FFFFFFF  }
0x98: {  	s19 =	sld [smem:$0x3FDB];
	_ =	sdelay $0x1  }
0x99: {  	s4 =	simm.s32 $_scs_section_size  }
0x9a: {  	s5 =	simm.s32 $_size__tile_overlayer_lowered;
	s6 =	simm.s32 $_tile_overlayer_lowered  }
0x9b: {  	s22 =	simm.s32 $0x1BFF;
	s21 =	sshll.u32 s6, $0x1;
	s3 =	sadd.s32 s4, s19  }
0x9c: {  	s7 =	simm.s32 $0x0;
	s20 =	sshll.u32 s5, $0x1;
	s5 =	sadd.s32 s21, s3  }
0x9d: {  	[timem:s7], [sflag:s22] =	dma.local [hbm:s5], s20  }
0x9e: {  	_ =	swait.ge [sflag:s22], s20  }
0x9f: {  	s4 =	ssub.s32 $0x0, s20;
	[sflag:s22] =	ssyncset.done $0x0  }
0xa0: {  	[sflag:s22] =	ssyncadd.s32 s4;
	_ =	sdelay $0x1  }
0xa1: {  	s23 =	simm.s32 $0x1B8B  }
0xa2: {  	_ =	swait.ge [sflag:s23], $0x1  }
0xa3: {  	[sflag:s23] =	ssyncset.done $0x0  }
0xa4: {  	s25 =	simm.s32 $0x1B8E;
	s24 =	sld [smem:$0x3FFE];
	[sflag:s23] =	ssyncadd.s32 $0xFFFFFFFF  }
0xa5: {  	s26 =	simm.s32 $execute0_lowered;
	[smem:$0x3FD2] =	sst s25  }
0xa6: {  	s5 =	sshll.u32 s26, $0x1;
	_ =	strace $0x80000046;
	[dreg:$0x1] =	wrdreg $0xFFFFFFFF  }
0xa7: {  	s28 =	simm.s32 $_size_execute0_lowered;
	s3 =	sadd.s32 s3, s5;
	[dreg:$0x0] =	wrdreg $0x0  }
0xa8: {  	s5 =	sshll.u32 s28, $0x1;
	[dreg:$0x2] =	wrdreg s3  }
0xa9: {  	[dreg:$0x3] =	wrdreg s5  }
0xaa: {  	[dreg:$0x4] =	wrdreg $0xC0  }
0xab: {  	_ =	task [dreg:s7], $0x5FFFF  }
0xac: {  	[dreg:$0x1] =	wrdreg $0xFFFFFFFF  }
0xad: {  	[dreg:$0x0] =	wrdreg $0x60  }
0xae: {  	[dreg:$0x2] =	wrdreg s24  }
0xaf: {  	[dreg:$0x3] =	wrdreg s2  }
0xb0: {  	[dreg:$0x4] =	wrdreg $0x1B4800  }
0xb1: {  	[dreg:$0x5] =	wrdreg $0x1DC800  }
0xb2: {  	[dreg:$0x6] =	wrdreg $0x9  }
0xb3: {  	_ =	task.clear_ibuf [dreg:s7], $0x7FFFF;
	_ =	strace $0x90000046  }
0xb4: {  	s29 =	simm.s32 $0x9;
	_ =	strace $0x8000004C  }
0xb5: {  	_ =	swait.ge [sflag:s29], $0x1  }
0xb6: {  	[sflag:s29] =	ssyncadd.s32 $0xFFFFFFFF  }
0xb7: {  	_ =	strace $0x9000004C  }
0xb8: {  	_ =	sfence  }
0xb9: {  	s30 =	sld [smem:$0x0];
	_ =	sdelay $0x2  }
0xba: {  	s31 =	sshll.u32 s1, $0xD;
	s1 =	sshrl.u32 s1, $0x2  }
0xbb: {  	s3 =	sand.u32 $0x4000, s31;
	s1 =	sadd.s32 s1, s30  }
0xbc: {  	s0 =	sor.u32 s3, s0;
	s1 =	sshll.u32 s1, $0x11  }
0xbd: {  	s0 =	sor.u32 s1, s0  }
0xbe: {  	s0 =	sadd.s32 $0x8F2B, s0  }
0xbf: {  	[sflag:s0] =	ssyncadd.remote.s32 $0x1  }
0xc0: {  	_ =	sfence.sel $0xFFFF  }
0xc1: {  	[dreg:$0x0] =	wrdreg $0xFFFFFFFF;
	(pc) =	sbr.abs _section_cstart, $3  }
0xc2: {  	[dreg:$0x1] =	wrdreg $0xFFFFFFFF  }
0xc3: {  	_ =	task.clear_ibuf [dreg:s7], $0x2FFFF;
	_ =	strace $0x9FFFFFFF  }
0xc4: {  	(tm) =	ssettm $0x7FFFFFFF  }
0xc5: {  	_ =	shalt  }
tec
execute0_lowered:
.L_overlay_start_1:
0x0: {  	(tag) =	ssettag $0x1  }
0x1: {  	s0 =	rddreg [dreg:$0x0]  }
0x2: {  	s4 =	rddreg [dreg:$0x1]  }
0x3: {  	s1 =	rddreg [dreg:$0x2]  }
0x4: {  	s13 =	rddreg [dreg:$0x3];
	s2 =	srdreg.scid  }
0x5: {  	s12 =	stileid.u32;
	s14 =	simm.s32 $0x0;
	s29 =	simm.s32 $0x1A800  }
0x6: {  	s30 =	simm.s32 $0x11800;
	s2 =	sand.u32 $0x1, s2;
	s3 =	smul.u32 $0x1400, s12  }
0x7: {  	[smem:$0x7FF] =	sst s14;
	s7 =	smul.u32 $0xA000, s12;
	s15 =	sadd.s32 $0xB000, s0  }
0x8: {  	s16 =	sadd.s32 $0x1200, s0;
	s17 =	smul.u32 $0x50, s12;
	s8 =	sshrl.u32 s12, $0x3  }
0x9: {  	s10 =	sshll.u32 s12, $0x7;
	s11 =	smul.u32 $0x2800, s12;
	s21 =	sadd.s32 $0x80, s13  }
0xa: {  	s22 =	sadd.s32 $0x100, s13;
	s23 =	sadd.s32 $0x180, s13;
	s5 =	sshll.u32 s2, $0x9  }
0xb: {  	s6 =	smul.u32 $0xA0000, s2;
	_ =	strace $0x80000047;
	[dreg:$0xd] =	wrdreg s21  }
0xc: {  	s8 =	smul.u32 $0x50000, s8;
	s18 =	ssub.s32 $0x2, s2;
	[dreg:$0xe] =	wrdreg s22  }
0xd: {  	s10 =	sand.u32 $0x380, s10;
	[dreg:$0xf] =	wrdreg s23;
	s21 =	simm.s32 $0x1  }
0xe: {  	p0 =	sne.s32 s2, $0x0;
	s22 =	simm.s32 $0x400;
	[dreg:$0x5] =	wrdreg s15  }
0xf: {  	s23 =	simm.s32 $0x200;
	[dreg:$0x6] =	wrdreg s16;
	s5 =	sor.u32 s5, s3  }
0x10: {  	s9 =	sshrl.u32 s18, $0x1;
	s20 =	sshrl.u32 s11, $0x2;
	s5 =	sshrl.u32 s5, $0x3  }
0x11: {  	s6 =	sadd.s32 s7, s6;
	s8 =	sshrl.u32 s8, $0x2;
	s7 =	ssub.s32 s18, s9  }
0x12: {  	s18 =	simm.s32 $0x80;
	s8 =	sadd.s32 s8, s1;
	s1 =	sadd.s32 s3, s1  }
0x13: {  	s5 =	sadd.s32 s5, s0;
	s31 =	smax.u32 s7, $0x1;
	[dreg:$0x9] =	wrdreg s1  }
0x14: {  	s6 =	sshrl.u32 s6, $0x3;
	s8 =	sadd.s32 s10, s8;
	[dreg:$0x14] =	wrdreg s31  }
0x15: {  	s6 =	sadd.s32 s6, s0;
	s19 =	sadd.s32 $0x14E00, s5;
	[dreg:$0x8] =	wrdreg s8  }
0x16: {  	s0 =	sadd.s32 s17, s0;
	s1 =	sadd.s32 s20, s13;
	[dreg:$0xa] =	wrdreg s19  }
0x17: {  	s7 =	simm.s32 $0x19800;
	[dreg:$0xb] =	wrdreg s1;
	s0 =	sadd.s32 $0x3F600, s0  }
0x18: {  	s17 =	smul.u32 $0x4E20, s12;
	s24 =	sadd.s32 $0x17600, s6;
	[dreg:$0xc] =	wrdreg s0  }
0x19: {  	s13 =	simm.s32 $0x1A000;
	s25 =	sadd.s32 $0x17610, s6;
	[dreg:$0x10] =	wrdreg s24  }
0x1a: {  	s26 =	sadd.s32 $0x17620, s6;
	s28 =	sadd.s32 $0x17630, s6;
	[dreg:$0x11] =	wrdreg s25  }
0x1b: {  	s19 =	simm.s32 $0x14000;
	s8 =	simm.s32 $0x16800;
	[dreg:$0x12] =	wrdreg s26  }
0x1c: {  	s1 =	simm.s32 $0x0;
	[dreg:$0x13] =	wrdreg s28;
	s24 =	simm.s32 $0x5000  }
0x1d: {  	v0 =	vimm.f32 $0.0e+00;
	s25 =	simm.s32 $0x7800;
	s26 =	simm.s32 $0xA000;
	[dreg:$0x7] =	wrdreg s17  }
.LBB2_1:
0x1e: {  	[dreg:$0x15] =	wrdreg s1;
	s12 =	simm.s32 $0x40  }
0x1f: {  	_ =	strace $0x80000048;
	[tilespmem:s12+$0x30] =	vst v0  }
0x20: {  	[tilespmem:s12+$0xFFFFFFE0] =	vst v0  }
0x21: {  	[tilespmem:s12+$0xFFFFFFF0] =	vst v0  }
0x22: {  	[tilespmem:s12+$0x0] =	vst v0  }
0x23: {  	[tilespmem:s12+$0xFFFFFFC0] =	vst v0  }
0x24: {  	[tilespmem:s12+$0x10] =	vst v0  }
0x25: {  	[tilespmem:s12+$0x20] =	vst v0  }
0x26: {  	s11 =	simm.s32 $0x5040;
	[tilespmem:s12+$0xFFFFFFD0] =	vst v0  }
0x27: {  	[tilespmem:s11+$0x30] =	vst v0  }
0x28: {  	[tilespmem:s11+$0xFFFFFFC0] =	vst v0  }
0x29: {  	[tilespmem:s11+$0x10] =	vst v0  }
0x2a: {  	[tilespmem:s11+$0xFFFFFFD0] =	vst v0  }
0x2b: {  	[tilespmem:s11+$0x20] =	vst v0  }
0x2c: {  	[tilespmem:s11+$0x0] =	vst v0  }
0x2d: {  	s10 =	simm.s32 $0x7840;
	[tilespmem:s11+$0xFFFFFFF0] =	vst v0  }
0x2e: {  	[tilespmem:s10+$0x30] =	vst v0  }
0x2f: {  	[tilespmem:s10+$0xFFFFFFC0] =	vst v0  }
0x30: {  	[tilespmem:s10+$0x10] =	vst v0  }
0x31: {  	[tilespmem:s10+$0xFFFFFFD0] =	vst v0  }
0x32: {  	[tilespmem:s10+$0x20] =	vst v0  }
0x33: {  	[tilespmem:s10+$0x0] =	vst v0  }
0x34: {  	s2 =	simm.s32 $0xA040;
	[tilespmem:s10+$0xFFFFFFF0] =	vst v0  }
0x35: {  	[tilespmem:s2+$0x30] =	vst v0  }
0x36: {  	[tilespmem:s2+$0xFFFFFFC0] =	vst v0  }
0x37: {  	[tilespmem:s2+$0x10] =	vst v0  }
0x38: {  	[tilespmem:s2+$0xFFFFFFD0] =	vst v0  }
0x39: {  	s1 =	simm.s32 $0x0;
	s3 =	simm.s32 $0x78C0;
	s9 =	simm.s32 $0xA0C0;
	[tilespmem:s2+$0x20] =	vst v0  }
.LBB2_2:
0x3a: {  	s1 =	sadd.s32 $0x8, s1;
	[tilespmem:s11+$0xFFFFFFE0] =	vst v0;
	s12 =	sadd.s32 $0x80, s12;
	s11 =	sadd.s32 $0x80, s11  }
0x3b: {  	[tilespmem:s12+$0x30] =	vst v0;
	p1 =	slt.u32 s1, $0x278  }
0x3c: {  	[tilespmem:s11+$0x30] =	vst v0  }
0x3d: {  	[tilespmem:s3+$0x30] =	vst v0  }
0x3e: {  	[tilespmem:s2+$0xFFFFFFF0] =	vst v0  }
0x3f: {  	[tilespmem:s2+$0x0] =	vst v0  }
0x40: {  	[tilespmem:s10+$0xFFFFFFE0] =	vst v0;
	s10 =	smov.u32 s3  }
0x41: {  	[tilespmem:s2+$0xFFFFFFE0] =	vst v0;
	s2 =	smov.u32 s9  }
0x42: {  	[tilespmem:s9+$0x30] =	vst v0  }
0x43: {  	[tilespmem:s12+$0xFFFFFFE0] =	vst v0  }
0x44: {  	[tilespmem:s12+$0xFFFFFFF0] =	vst v0  }
0x45: {  	[tilespmem:s12+$0x0] =	vst v0  }
0x46: {  	[tilespmem:s12+$0xFFFFFFC0] =	vst v0  }
0x47: {  	[tilespmem:s11+$0xFFFFFFC0] =	vst v0  }
0x48: {  	[tilespmem:s3+$0xFFFFFFC0] =	vst v0  }
0x49: {  	[tilespmem:s9+$0xFFFFFFC0] =	vst v0  }
0x4a: {  	[tilespmem:s12+$0x10] =	vst v0  }
0x4b: {  	[tilespmem:s11+$0x10] =	vst v0  }
0x4c: {  	[tilespmem:s3+$0x10] =	vst v0  }
0x4d: {  	[tilespmem:s9+$0x10] =	vst v0  }
0x4e: {  	[tilespmem:s12+$0x20] =	vst v0  }
0x4f: {  	[tilespmem:s12+$0xFFFFFFD0] =	vst v0  }
0x50: {  	[tilespmem:s11+$0xFFFFFFD0] =	vst v0  }
0x51: {  	[tilespmem:s3+$0xFFFFFFD0] =	vst v0  }
0x52: {  	[tilespmem:s9+$0xFFFFFFD0] =	vst v0  }
0x53: {  	[tilespmem:s11+$0x20] =	vst v0  }
0x54: {  	[tilespmem:s3+$0x20] =	vst v0  }
.Ltmp0:
0x55: {  	[tilespmem:s9+$0x20] =	vst v0;
	(pc) =	sbr.rel @p1 .LBB2_2-.Ltmp0, $4  }
0x56: {  	[tilespmem:s11+$0x0] =	vst v0  }
0x57: {  	[tilespmem:s3+$0x0] =	vst v0  }
0x58: {  	[tilespmem:s11+$0xFFFFFFF0] =	vst v0  }
0x59: {  	s9 =	sadd.s32 $0x80, s9;
	s3 =	sadd.s32 $0x80, s3;
	[tilespmem:s10+$0xFFFFFFF0] =	vst v0  }
0x5a: {  	[tilespmem:s11+$0xFFFFFFE0] =	vst v0  }
0x5b: {  	[tilespmem:s2+$0xFFFFFFF0] =	vst v0  }
0x5c: {  	[tilespmem:s2+$0x0] =	vst v0  }
0x5d: {  	[tilespmem:s10+$0xFFFFFFE0] =	vst v0  }
0x5e: {  	s11 =	simm.s32 $0x0;
	s10 =	simm.s32 $0x0;
	[tilespmem:s2+$0xFFFFFFE0] =	vst v0  }
.LBB2_4:
0x5f: {  	s1 =	smul.u32 $0x7D0, s11;
	_ =	sdelay $0x1  }
0x60: {  	s1 =	sadd.s32 s17, s1  }
0x61: {  	s1 =	sshrl.u32 s1, $0x3  }
0x62: {  	s2 =	sadd.s32 s16, s1  }
0x63: {  	[tilespmem:s7], [sflag:$0x1] =	stream.linear.gather [hbm4b:s2+s10], $0x7D0, $0x200038;
	[tilespmem:$0x1E680] =	vst v63  }
0x64: {  	_ =	swait.ge [sflag:s21], $0x7D0  }
0x65: {  	[sflag:s21] =	ssyncset.done $0x0  }
0x66: {  	s1 =	sadd.s32 s4, s1;
	[sflag:s21] =	ssyncadd.s32 $0xFFFFF830  }
0x67: {  	[tilespmem:s13], [sflag:$0x1] =	stream.linear.gather [hbm4b:s1+s10], $0x7D0, $0x200038;
	[tilespmem:$0x1E680] =	vst v63  }
0x68: {  	_ =	swait.ge [sflag:s21], $0x7D0  }
0x69: {  	[sflag:s21] =	ssyncset.done $0x0  }
0x6a: {  	s31 =	simm.s32 $0x19850;
	[sflag:s21] =	ssyncadd.s32 $0xFFFFF830  }
0x6b: {  	v1 =	vld [tilespmem:s31+$0x0];
	_ =	sdelay $0x1  }
0x6c: {  	s5 =	simm.s32 $0x1A050  }
0x6d: {  	v2 =	vld [tilespmem:s5+$0x0];
	_ =	sdelay $0x3  }
0x6e: {  	v3 =	vld [tilespmem:s31+$0xFFFFFFB0]  }
0x6f: {  	[tilespmem:v1+s14+$0x0] =	vst.idx.add.f32.msk $0xffff, v2  }
0x70: {  	v2 =	vld [tilespmem:s5+$0xFFFFFFB0]  }
0x71: {  	v1 =	vld [tilespmem:s31+$0x10];
	_ =	sdelay $0x2  }
0x72: {  	v4 =	vld [tilespmem:s5+$0x10];
	_ =	sdelay $0x1  }
0x73: {  	[tilespmem:v3+s14+$0x0] =	vst.idx.add.f32.msk $0xffff, v2  }
0x74: {  	v2 =	vld [tilespmem:s31+$0xFFFFFFC0]  }
0x75: {  	v3 =	vld [tilespmem:s5+$0xFFFFFFC0]  }
0x76: {  	[tilespmem:v1+s24+$0x0] =	vst.idx.add.f32.msk $0xffff, v4  }
0x77: {  	v1 =	vld [tilespmem:s31+$0x20];
	_ =	sdelay $0x2  }
0x78: {  	v4 =	vld [tilespmem:s5+$0x20];
	_ =	sdelay $0x1  }
0x79: {  	[tilespmem:v2+s24+$0x0] =	vst.idx.add.f32.msk $0xffff, v3  }
0x7a: {  	v2 =	vld [tilespmem:s31+$0xFFFFFFD0]  }
0x7b: {  	v3 =	vld [tilespmem:s5+$0xFFFFFFD0]  }
0x7c: {  	s2 =	simm.s32 $0x198F0;
	[tilespmem:v1+s25+$0x0] =	vst.idx.add.f32.msk $0xffff, v4  }
0x7d: {  	s3 =	sand.u32 $0xFE0, s10;
	v4 =	vld [tilespmem:s2+$0x0]  }
0x7e: {  	v1 =	vld [tilespmem:s3+$0x19880]  }
0x7f: {  	v5 =	vld [tilespmem:s3+$0x1A080];
	s3 =	simm.s32 $0x1A0F0  }
0x80: {  	v7 =	vld [tilespmem:s3+$0x0];
	_ =	sdelay $0x1  }
0x81: {  	v6 =	vld [tilespmem:s2+$0xFFFFFFB0]  }
0x82: {  	[tilespmem:v2+s25+$0x0] =	vst.idx.add.f32.msk $0xffff, v3  }
0x83: {  	v2 =	vld [tilespmem:s3+$0xFFFFFFB0]  }
0x84: {  	[tilespmem:v4+s14+$0x0] =	vst.idx.add.f32.msk $0xffff, v7  }
0x85: {  	[tilespmem:v1+s26+$0x0] =	vst.idx.add.f32.msk $0xffff, v5  }
0x86: {  	v3 =	vld [tilespmem:s2+$0x10]  }
0x87: {  	v5 =	vld [tilespmem:s3+$0x10]  }
0x88: {  	v1 =	vld [tilespmem:s31+$0x40]  }
0x89: {  	v4 =	vld [tilespmem:s5+$0x40]  }
0x8a: {  	[tilespmem:v6+s14+$0x0] =	vst.idx.add.f32.msk $0xffff, v2  }
0x8b: {  	v2 =	vld [tilespmem:s2+$0xFFFFFFC0];
	_ =	sdelay $0x1  }
0x8c: {  	v62 =	vld [tilespmem:s31+$0xFFFFFFE0]  }
0x8d: {  	v63 =	vld [tilespmem:s3+$0xFFFFFFC0]  }
0x8e: {  	[tilespmem:v3+s24+$0x0] =	vst.idx.add.f32.msk $0xffff, v5  }
0x8f: {  	[tilespmem:v1+s24+$0x0] =	vst.idx.add.f32.msk $0xffff, v4  }
0x90: {  	v1 =	vld [tilespmem:s5+$0xFFFFFFE0]  }
0x91: {  	v3 =	vld [tilespmem:s2+$0x20]  }
0x92: {  	[tilespmem:v2+s24+$0x0] =	vst.idx.add.f32.msk $0xffff, v63  }
0x93: {  	v4 =	vld [tilespmem:s2+$0xFFFFFFD0]  }
0x94: {  	v5 =	vld [tilespmem:s3+$0x20]  }
0x95: {  	v7 =	vld [tilespmem:s3+$0xFFFFFFD0]  }
0x96: {  	[tilespmem:v62+s26+$0x0] =	vst.idx.add.f32.msk $0xffff, v1  }
0x97: {  	v1 =	vld [tilespmem:s31+$0xFFFFFFF0]  }
0x98: {  	s9 =	simm.s32 $0xA0;
	v2 =	vld [tilespmem:s5+$0xFFFFFFF0]  }
0x99: {  	s6 =	sand.u32 $0xFE0, s9;
	[tilespmem:v3+s25+$0x0] =	vst.idx.add.f32.msk $0xffff, v5  }
0x9a: {  	v3 =	vld [tilespmem:s6+$0x19880]  }
0x9b: {  	s12 =	simm.s32 $0x2;
	s1 =	simm.s32 $0x1A0F0;
	s5 =	simm.s32 $0x19990;
	[tilespmem:v4+s25+$0x0] =	vst.idx.add.f32.msk $0xffff, v7  }
.LBB2_5:
0x9c: {  	v4 =	vld [tilespmem:s5+$0x0]  }
0x9d: {  	s12 =	sadd.s32 $0x2, s12;
	v5 =	vld [tilespmem:s6+$0x1A080]  }
0x9e: {  	s3 =	sadd.s32 $0xA0, s3;
	p1 =	slt.u32 s12, $0x16;
	v6 =	vld [tilespmem:s5+$0xFFFFFFB0]  }
0x9f: {  	v7 =	vld [tilespmem:s3+$0x0]  }
0xa0: {  	v8 =	vld [tilespmem:s3+$0xFFFFFFB0]  }
0xa1: {  	v9 =	vld [tilespmem:s2+$0xFFFFFFE0]  }
0xa2: {  	[tilespmem:v3+s26+$0x0] =	vst.idx.add.f32.msk $0xffff, v5  }
0xa3: {  	v3 =	vld [tilespmem:s2+$0x40]  }
0xa4: {  	[tilespmem:v4+s14+$0x0] =	vst.idx.add.f32.msk $0xffff, v7  }
0xa5: {  	v4 =	vld [tilespmem:s5+$0x10]  }
0xa6: {  	v5 =	vld [tilespmem:s1+$0x40]  }
0xa7: {  	[tilespmem:v6+s14+$0x0] =	vst.idx.add.f32.msk $0xffff, v8  }
0xa8: {  	v6 =	vld [tilespmem:s5+$0xFFFFFFC0]  }
0xa9: {  	v7 =	vld [tilespmem:s3+$0x10]  }
0xaa: {  	v8 =	vld [tilespmem:s3+$0xFFFFFFC0]  }
0xab: {  	[tilespmem:v3+s24+$0x0] =	vst.idx.add.f32.msk $0xffff, v5  }
0xac: {  	v3 =	vld [tilespmem:s1+$0xFFFFFFE0]  }
0xad: {  	[tilespmem:v1+s24+$0x0] =	vst.idx.add.f32.msk $0xffff, v2  }
0xae: {  	[tilespmem:v4+s24+$0x0] =	vst.idx.add.f32.msk $0xffff, v7  }
0xaf: {  	v4 =	vld [tilespmem:s5+$0x20]  }
0xb0: {  	[tilespmem:v6+s24+$0x0] =	vst.idx.add.f32.msk $0xffff, v8  }
0xb1: {  	v5 =	vld [tilespmem:s5+$0xFFFFFFD0]  }
0xb2: {  	v6 =	vld [tilespmem:s3+$0x20]  }
0xb3: {  	v7 =	vld [tilespmem:s3+$0xFFFFFFD0]  }
0xb4: {  	[tilespmem:v9+s26+$0x0] =	vst.idx.add.f32.msk $0xffff, v3  }
.Ltmp1:
0xb5: {  	v1 =	vld [tilespmem:s2+$0xFFFFFFF0];
	s2 =	smov.u32 s5;
	(pc) =	sbr.rel @p1 .LBB2_5-.Ltmp1, $4  }
0xb6: {  	s9 =	sadd.s32 $0xA0, s9;
	v2 =	vld [tilespmem:s1+$0xFFFFFFF0];
	s1 =	smov.u32 s3  }
0xb7: {  	s6 =	sand.u32 $0xFE0, s9;
	[tilespmem:v4+s25+$0x0] =	vst.idx.add.f32.msk $0xffff, v6  }
0xb8: {  	v3 =	vld [tilespmem:s6+$0x19880]  }
0xb9: {  	s5 =	sadd.s32 $0xA0, s5;
	[tilespmem:v5+s25+$0x0] =	vst.idx.add.f32.msk $0xffff, v7  }
0xba: {  	_ = 	snop  }
0xbb: {  	v4 =	vld [tilespmem:s2+$0xFFFFFFE0]  }
0xbc: {  	v5 =	vld [tilespmem:s6+$0x1A080];
	_ =	sdelay $0x1  }
0xbd: {  	v6 =	vld [tilespmem:s1+$0xFFFFFFE0];
	_ =	sdelay $0x2  }
0xbe: {  	[tilespmem:v3+s26+$0x0] =	vst.idx.add.f32.msk $0xffff, v5  }
0xbf: {  	v3 =	vld [tilespmem:s2+$0x40]  }
0xc0: {  	[tilespmem:v4+s26+$0x0] =	vst.idx.add.f32.msk $0xffff, v6  }
0xc1: {  	v4 =	vld [tilespmem:s2+$0xFFFFFFF0];
	_ =	sdelay $0x1  }
0xc2: {  	v5 =	vld [tilespmem:s1+$0x40]  }
0xc3: {  	v6 =	vld [tilespmem:s1+$0xFFFFFFF0];
	_ =	sdelay $0x2  }
0xc4: {  	[tilespmem:v1+s24+$0x0] =	vst.idx.add.f32.msk $0xffff, v2  }
0xc5: {  	[tilespmem:v3+s24+$0x0] =	vst.idx.add.f32.msk $0xffff, v5  }
0xc6: {  	[tilespmem:v4+s24+$0x0] =	vst.idx.add.f32.msk $0xffff, v6  }
0xc7: {  	v1 =	vld [tilespmem:$0x19F80];
	_ =	sdelay $0x2  }
0xc8: {  	v2 =	vld [tilespmem:$0x1A780];
	_ =	sdelay $0x4  }
0xc9: {  	[tilespmem:v1+s14+$0x0] =	vst.idx.add.f32.msk $0xffff, v2  }
0xca: {  	v1 =	vld [tilespmem:$0x19F90];
	_ =	sdelay $0x2  }
0xcb: {  	v2 =	vld [tilespmem:$0x1A790];
	_ =	sdelay $0x4  }
0xcc: {  	[tilespmem:v1+s24+$0x0] =	vst.idx.add.f32.msk $0xffff, v2  }
0xcd: {  	v1 =	vld [tilespmem:$0x19FA0];
	_ =	sdelay $0x2  }
0xce: {  	v2 =	vld [tilespmem:$0x1A7A0];
	_ =	sdelay $0x4  }
0xcf: {  	[tilespmem:v1+s25+$0x0] =	vst.idx.add.f32.msk $0xffff, v2  }
0xd0: {  	v1 =	vld [tilespmem:$0x19FB0];
	_ =	sdelay $0x2  }
0xd1: {  	v2 =	vld [tilespmem:$0x1A7B0];
	_ =	sdelay $0x4  }
0xd2: {  	[tilespmem:v1+s26+$0x0] =	vst.idx.add.f32.msk $0xffff, v2  }
0xd3: {  	v1 =	vld [tilespmem:$0x19FC0];
	_ =	sdelay $0x1  }
0xd4: {  	s11 =	sadd.s32 $0x1, s11  }
0xd5: {  	p1 =	sne.s32 s11, $0xA;
	v2 =	vld [tilespmem:$0x1A7C0]  }
.Ltmp2:
0xd6: {  	_ = 	snop;
	(pc) =	sbr.rel @p1 .LBB2_4-.Ltmp2, $2  }
0xd7: {  	_ =	sdelay $0x2  }
0xd8: {  	[tilespmem:v1+s24+$0x0] =	vst.idx.add.f32.msk $0xffff, v2  }
0xd9: {  	s10 =	simm.s32 $0x40  }
0xda: {  	s11 =	simm.s32 $0x5040;
	v2 =	vld [tilespmem:s10+$0x30]  }
0xdb: {  	s12 =	simm.s32 $0x7840;
	v3 =	vld [tilespmem:s11+$0x30]  }
0xdc: {  	s13 =	simm.s32 $0xA040;
	v4 =	vld [tilespmem:s12+$0x30]  }
0xdd: {  	v5 =	vld [tilespmem:s13+$0x30]  }
0xde: {  	v1 =	vld [tilespmem:s11+$0xFFFFFFC0]  }
0xdf: {  	v6 =	vld [tilespmem:s12+$0xFFFFFFC0]  }
0xe0: {  	v7 =	vld [tilespmem:s13+$0xFFFFFFC0]  }
0xe1: {  	v8 =	vld [tilespmem:s10+$0xFFFFFFD0]  }
0xe2: {  	v9 =	vld [tilespmem:s11+$0xFFFFFFD0]  }
0xe3: {  	v10 =	vld [tilespmem:s12+$0xFFFFFFD0]  }
0xe4: {  	v11 =	vld [tilespmem:s13+$0xFFFFFFD0]  }
0xe5: {  	v12 =	vld [tilespmem:s10+$0xFFFFFFE0]  }
0xe6: {  	v13 =	vld [tilespmem:s11+$0xFFFFFFE0]  }
0xe7: {  	v14 =	vld [tilespmem:s12+$0xFFFFFFE0]  }
0xe8: {  	v15 =	vld [tilespmem:s13+$0xFFFFFFE0]  }
0xe9: {  	v16 =	vld [tilespmem:s10+$0xFFFFFFF0]  }
0xea: {  	v17 =	vld [tilespmem:s11+$0xFFFFFFF0]  }
0xeb: {  	v18 =	vld [tilespmem:s12+$0xFFFFFFF0]  }
0xec: {  	v19 =	vld [tilespmem:s13+$0xFFFFFFF0]  }
0xed: {  	v20 =	vld [tilespmem:s10+$0x0]  }
0xee: {  	v21 =	vld [tilespmem:s11+$0x0]  }
0xef: {  	v2 =	vadd.f32 v3, v2;
	v3 =	vadd.f32 v5, v4;
	v4 =	vld [tilespmem:s12+$0x0]  }
0xf0: {  	v5 =	vadd.f32 v9, v8;
	v9 =	vld [tilespmem:s13+$0x0]  }
0xf1: {  	v60 =	vld [tilespmem:s10+$0x10];
	v8 =	vadd.f32 v11, v10;
	v10 =	vadd.f32 v13, v12  }
0xf2: {  	v61 =	vld [tilespmem:s11+$0x10];
	v11 =	vadd.f32 v15, v14;
	v62 =	vadd.f32 v19, v18  }
0xf3: {  	v63 =	vld [tilespmem:s13+$0x10];
	v2 =	vadd.f32 v3, v2;
	v5 =	vadd.f32 v8, v5  }
0xf4: {  	v8 =	vadd.f32 v11, v10;
	v10 =	vld [tilespmem:s12+$0x10];
	v11 =	vadd.f32 v17, v16  }
0xf5: {  	v3 =	vld [tilespmem:s10+$0x20];
	[tilespmem:s10+$0x30] =	vst v2;
	v2 =	vadd.f32 v21, v20;
	v4 =	vadd.f32 v9, v4  }
0xf6: {  	[tilespmem:s10+$0xFFFFFFD0] =	vst v5;
	v5 =	vld [tilespmem:s11+$0x20];
	v9 =	vadd.f32 v62, v11  }
0xf7: {  	[tilespmem:s10+$0xFFFFFFE0] =	vst v8;
	v11 =	vadd.f32 v4, v2;
	v4 =	vld [tilespmem:s12+$0x20]  }
0xf8: {  	v2 =	vadd.f32 v7, v6;
	[tilespmem:s10+$0xFFFFFFF0] =	vst v9;
	v6 =	vld [tilespmem:s13+$0x20]  }
0xf9: {  	s2 =	simm.s32 $0x0;
	s9 =	simm.s32 $0xC0;
	v8 =	vadd.f32 v61, v60;
	v7 =	vld [tilespmem:s10+$0xFFFFFFC0];
	v9 =	vadd.f32 v63, v10;
	[tilespmem:s10+$0x0] =	vst v11  }
.LBB2_8:
0xfa: {  	v10 =	vld [tilespmem:s9+$0x30];
	s11 =	sadd.s32 $0x80, s11  }
0xfb: {  	s12 =	sadd.s32 $0x80, s12;
	v11 =	vld [tilespmem:s11+$0x30];
	v8 =	vadd.f32 v9, v8;
	v3 =	vadd.f32 v5, v3  }
0xfc: {  	s13 =	sadd.s32 $0x80, s13;
	v5 =	vld [tilespmem:s12+$0x30]  }
0xfd: {  	s2 =	sadd.s32 $0x8, s2;
	v9 =	vld [tilespmem:s13+$0x30];
	[tilespmem:s10+$0x10] =	vst v8;
	v4 =	vadd.f32 v6, v4  }
0xfe: {  	p1 =	slt.u32 s2, $0x278;
	v6 =	vadd.f32 v1, v7;
	v1 =	vld [tilespmem:s11+$0xFFFFFFC0]  }
0xff: {  	v7 =	vld [tilespmem:s12+$0xFFFFFFC0];
	v3 =	vadd.f32 v4, v3  }
0x100: {  	v4 =	vld [tilespmem:s13+$0xFFFFFFC0];
	v2 =	vadd.f32 v2, v6  }
0x101: {  	v6 =	vld [tilespmem:s9+$0xFFFFFFD0];
	[tilespmem:s10+$0x20] =	vst v3  }
0x102: {  	v8 =	vadd.f32 v11, v10;
	v3 =	vld [tilespmem:s11+$0xFFFFFFD0];
	v5 =	vadd.f32 v9, v5;
	[tilespmem:s10+$0xFFFFFFC0] =	vst v2;
	s10 =	smov.u32 s9  }
0x103: {  	v9 =	vld [tilespmem:s12+$0xFFFFFFD0]  }
0x104: {  	v10 =	vld [tilespmem:s13+$0xFFFFFFD0];
	v5 =	vadd.f32 v5, v8  }
0x105: {  	v2 =	vadd.f32 v4, v7;
	v4 =	vld [tilespmem:s9+$0xFFFFFFE0]  }
0x106: {  	v7 =	vld [tilespmem:s11+$0xFFFFFFE0];
	[tilespmem:s9+$0x30] =	vst v5  }
0x107: {  	v3 =	vadd.f32 v3, v6;
	v5 =	vld [tilespmem:s12+$0xFFFFFFE0]  }
0x108: {  	v6 =	vld [tilespmem:s13+$0xFFFFFFE0]  }
0x109: {  	v8 =	vadd.f32 v10, v9;
	v9 =	vld [tilespmem:s9+$0xFFFFFFF0]  }
0x10a: {  	v10 =	vld [tilespmem:s11+$0xFFFFFFF0]  }
0x10b: {  	v3 =	vadd.f32 v8, v3;
	v4 =	vadd.f32 v7, v4;
	v7 =	vld [tilespmem:s12+$0xFFFFFFF0]  }
0x10c: {  	v8 =	vld [tilespmem:s13+$0xFFFFFFF0]  }
0x10d: {  	[tilespmem:s9+$0xFFFFFFD0] =	vst v3;
	v3 =	vadd.f32 v6, v5;
	v5 =	vld [tilespmem:s9+$0x0]  }
0x10e: {  	v6 =	vld [tilespmem:s11+$0x0]  }
0x10f: {  	v3 =	vadd.f32 v3, v4;
	v4 =	vadd.f32 v10, v9;
	v9 =	vld [tilespmem:s12+$0x0]  }
0x110: {  	v10 =	vld [tilespmem:s13+$0x0]  }
0x111: {  	[tilespmem:s9+$0xFFFFFFE0] =	vst v3;
	v3 =	vadd.f32 v8, v7;
	v7 =	vld [tilespmem:s9+$0x10]  }
0x112: {  	v8 =	vld [tilespmem:s11+$0x10]  }
0x113: {  	v3 =	vadd.f32 v3, v4;
	v4 =	vadd.f32 v6, v5;
	v11 =	vld [tilespmem:s12+$0x10]  }
0x114: {  	v12 =	vld [tilespmem:s13+$0x10]  }
.Ltmp3:
0x115: {  	[tilespmem:s9+$0xFFFFFFF0] =	vst v3;
	v6 =	vadd.f32 v10, v9;
	v3 =	vld [tilespmem:s9+$0x20];
	(pc) =	sbr.rel @p1 .LBB2_8-.Ltmp3, $4  }
0x116: {  	v5 =	vld [tilespmem:s11+$0x20]  }
0x117: {  	v9 =	vadd.f32 v6, v4;
	v8 =	vadd.f32 v8, v7;
	v4 =	vld [tilespmem:s12+$0x20]  }
0x118: {  	v6 =	vld [tilespmem:s13+$0x20]  }
0x119: {  	s9 =	sadd.s32 $0x80, s9;
	v7 =	vld [tilespmem:s10+$0xFFFFFFC0];
	[tilespmem:s10+$0x0] =	vst v9;
	v9 =	vadd.f32 v12, v11  }
0x11a: {  	_ =	sdelay $0x2  }
0x11b: {  	v3 =	vadd.f32 v5, v3;
	v4 =	vadd.f32 v6, v4  }
0x11c: {  	v5 =	vadd.f32 v9, v8;
	v1 =	vadd.f32 v1, v7  }
0x11d: {  	v3 =	vadd.f32 v4, v3  }
0x11e: {  	[tilespmem:s10+$0x10] =	vst v5;
	v1 =	vadd.f32 v2, v1  }
0x11f: {  	[tilespmem:s10+$0x20] =	vst v3  }
0x120: {  	[tilespmem:s10+$0xFFFFFFC0] =	vst v1  }
0x121: {  	_ =	strace $0x90000048  }
0x122: {  	s12 =	simm.s32 $0x0;
	s0 =	rddreg [dreg:$0x8]  }
0x123: {  	[spmem:s0] =	stream.strided.scatter [tilespmem:s12], [sflag:$0x1], $0x2800, s22, s18, $0x38;
	[tilespmem:$0x1E680] =	vst v63  }
0x124: {  	_ =	swait.ge [sflag:s21], $0x2800  }
0x125: {  	[sflag:s21] =	ssyncset.done $0x0  }
0x126: {  	[sflag:s21] =	ssyncadd.s32 $0xFFFFD800  }
0x127: {  	[bflag:$0x0] =	sbarrier.arrive $0xFFFF  }
0x128: {  	_ =	strace $0x80000049  }
0x129: {  	s1 =	simm.s32 $0x1400;
	s2 =	simm.s32 $0x2800;
	s17 =	rddreg [dreg:$0x9]  }
0x12a: {  	[tilespmem:s2], [sflag:$0x1] =	stream.strided.gather [spmem:s17], $0x2800, s19, s1, $0x200038;
	[tilespmem:$0x1E680] =	vst v63  }
0x12b: {  	s2 =	sand.u32 $0x60, s12;
	s1 =	sand.u32 $0x1C00, s12;
	_ =	swait.ge [sflag:s21], $0x2800  }
0x12c: {  	s3 =	sadd.s32 $0x2800, s1;
	s13 =	sor.u32 $0x10, s2;
	[sflag:s21] =	ssyncset.done $0x0  }
0x12d: {  	s5 =	sor.u32 s13, s3;
	[sflag:s21] =	ssyncadd.s32 $0xFFFFD800  }
0x12e: {  	v4 =	vld [tilespmem:s5+$0x0]  }
0x12f: {  	s3 =	sor.u32 s2, s3;
	v5 =	vld [tilespmem:s5+$0x80]  }
0x130: {  	v6 =	vld [tilespmem:s3+$0x0]  }
0x131: {  	v9 =	vld [tilespmem:s5+$0x100]  }
0x132: {  	v10 =	vld [tilespmem:s3+$0x80]  }
0x133: {  	v13 =	vld [tilespmem:s5+$0x180]  }
0x134: {  	v15 =	vld [tilespmem:s3+$0x100]  }
0x135: {  	v16 =	vld [tilespmem:s5+$0x200]  }
0x136: {  	v17 =	vld [tilespmem:s3+$0x180]  }
0x137: {  	v18 =	vld [tilespmem:s5+$0x280]  }
0x138: {  	v19 =	vld [tilespmem:s3+$0x200]  }
0x139: {  	v20 =	vld [tilespmem:s5+$0x300]  }
0x13a: {  	v21 =	vld [tilespmem:s3+$0x280]  }
0x13b: {  	s6 =	sadd.s32 $0x3C00, s1;
	v22 =	vld [tilespmem:s5+$0x380]  }
0x13c: {  	s18 =	sor.u32 s13, s6;
	v23 =	vld [tilespmem:s3+$0x300]  }
0x13d: {  	s7 =	sadd.s32 $0x3C80, s1;
	v24 =	vld [tilespmem:s18+$0x0]  }
0x13e: {  	s19 =	sor.u32 s13, s7;
	v14 =	vld [tilespmem:s3+$0x380]  }
0x13f: {  	s28 =	sadd.s32 $0x3D00, s1;
	s20 =	sor.u32 s2, s6;
	v25 =	vld [tilespmem:s19+$0x0]  }
0x140: {  	s31 =	sor.u32 s13, s28;
	v11 =	vld [tilespmem:s20+$0x0]  }
0x141: {  	s0 =	sor.u32 s2, s7;
	v26 =	vld [tilespmem:s31+$0x0]  }
0x142: {  	s10 =	sadd.s32 $0x3E00, s1;
	s9 =	sor.u32 s2, s28;
	v12 =	vld [tilespmem:s0+$0x0]  }
0x143: {  	s4 =	sadd.s32 $0x3D80, s1;
	s11 =	sor.u32 s13, s10;
	v8 =	vld [tilespmem:s9+$0x0]  }
0x144: {  	s15 =	sadd.s32 $0x3E80, s1;
	s14 =	sor.u32 s2, s4;
	v28 =	vld [tilespmem:s11+$0x0]  }
0x145: {  	s16 =	sor.u32 s13, s15;
	v7 =	vld [tilespmem:s14+$0x0]  }
0x146: {  	s17 =	sor.u32 s2, s10;
	v29 =	vld [tilespmem:s16+$0x0]  }
0x147: {  	s7 =	sor.u32 s2, s15;
	v3 =	vld [tilespmem:s17+$0x0]  }
0x148: {  	s5 =	sor.u32 s13, s4;
	s18 =	sadd.s32 $0x3F00, s1;
	s3 =	sadd.s32 $0x3F80, s1;
	v2 =	vld [tilespmem:s7+$0x0]  }
0x149: {  	s20 =	simm.s32 $0x100;
	s17 =	simm.s32 $0x20;
	v27 =	vld [tilespmem:s5+$0x0];
	s19 =	sor.u32 s13, s18  }
0x14a: {  	s28 =	sor.u32 s13, s3;
	s15 =	sand.u32 $0x60, s17;
	s1 =	sand.u32 $0x1C00, s20;
	v30 =	vld [tilespmem:s19+$0x0]  }
0x14b: {  	s6 =	sor.u32 s2, s18;
	v31 =	vld [tilespmem:s28+$0x0];
	s31 =	sadd.s32 $0x2800, s1;
	s16 =	sor.u32 $0x10, s15  }
0x14c: {  	v1 =	vld [tilespmem:s6+$0x0];
	s0 =	sor.u32 s16, s31  }
0x14d: {  	v32 =	vld [tilespmem:s0+$0x0]  }
0x14e: {  	s5 =	sor.u32 s15, s31;
	v33 =	vld [tilespmem:s0+$0x80]  }
0x14f: {  	v34 =	vld [tilespmem:s5+$0x0]  }
0x150: {  	v35 =	vld [tilespmem:s0+$0x100]  }
0x151: {  	v36 =	vld [tilespmem:s5+$0x80]  }
0x152: {  	v37 =	vld [tilespmem:s0+$0x180]  }
0x153: {  	v38 =	vld [tilespmem:s5+$0x100]  }
0x154: {  	v39 =	vld [tilespmem:s0+$0x200]  }
0x155: {  	v40 =	vld [tilespmem:s5+$0x180]  }
0x156: {  	v41 =	vld [tilespmem:s5+$0x200];
	v4 =	vadd.f32 v5, v4  }
0x157: {  	v42 =	vld [tilespmem:s0+$0x300]  }
0x158: {  	v43 =	vld [tilespmem:s5+$0x280];
	v4 =	vadd.f32 v9, v4  }
0x159: {  	s4 =	sadd.s32 $0x3C00, s1;
	v44 =	vld [tilespmem:s0+$0x380]  }
0x15a: {  	s10 =	sor.u32 s16, s4;
	v45 =	vld [tilespmem:s5+$0x300];
	v4 =	vadd.f32 v13, v4  }
0x15b: {  	s9 =	sadd.s32 $0x3C80, s1;
	v58 =	vld [tilespmem:s10+$0x0]  }
0x15c: {  	s11 =	sor.u32 s16, s9;
	v46 =	vld [tilespmem:s5+$0x380];
	v4 =	vadd.f32 v16, v4  }
0x15d: {  	s18 =	sadd.s32 $0x3D00, s1;
	s14 =	sor.u32 s15, s4;
	v59 =	vld [tilespmem:s11+$0x0]  }
0x15e: {  	s28 =	sadd.s32 $0x3D80, s1;
	s19 =	sor.u32 s16, s18;
	v47 =	vld [tilespmem:s14+$0x0];
	v4 =	vadd.f32 v18, v4  }
0x15f: {  	s31 =	sor.u32 s16, s28;
	v60 =	vld [tilespmem:s19+$0x0];
	v6 =	vadd.f32 v10, v6  }
0x160: {  	v61 =	vld [tilespmem:s31+$0x0];
	v4 =	vadd.f32 v20, v4  }
0x161: {  	s10 =	sadd.s32 $0x3E80, s1;
	v5 =	vld [tilespmem:s0+$0x280];
	s0 =	sor.u32 s15, s18;
	v6 =	vadd.f32 v15, v6  }
0x162: {  	s4 =	sadd.s32 $0x3E00, s1;
	s11 =	sor.u32 s16, s10;
	v10 =	vld [tilespmem:s0+$0x0];
	v9 =	vadd.f32 v33, v32;
	v4 =	vadd.f32 v22, v4  }
0x163: {  	s6 =	sor.u32 s16, s4;
	v63 =	vld [tilespmem:s11+$0x0];
	v6 =	vadd.f32 v17, v6  }
0x164: {  	s20 =	sor.u32 s15, s9;
	s19 =	sadd.s32 $0x3F80, s1;
	v15 =	vld [tilespmem:s6+$0x0];
	v62 =	vadd.f32 v35, v9;
	v4 =	vadd.f32 v24, v4  }
0x165: {  	s18 =	sadd.s32 $0x3F00, s1;
	s1 =	sor.u32 s16, s19;
	v13 =	vld [tilespmem:s20+$0x0];
	v19 =	vadd.f32 v19, v6  }
0x166: {  	s9 =	sor.u32 s15, s28;
	v33 =	vld [tilespmem:s1+$0x0];
	v17 =	vadd.f32 v37, v62;
	v4 =	vadd.f32 v25, v4  }
0x167: {  	s14 =	sor.u32 s15, s4;
	v9 =	vld [tilespmem:s9+$0x0];
	v19 =	vadd.f32 v21, v19  }
0x168: {  	s4 =	sor.u32 s2, s3;
	v6 =	vld [tilespmem:s14+$0x0];
	v17 =	vadd.f32 v39, v17;
	v25 =	vadd.f32 v26, v4  }
0x169: {  	s31 =	simm.s32 $0x200;
	s0 =	sor.u32 s15, s18;
	v35 =	vld [tilespmem:s4+$0x0];
	v19 =	vadd.f32 v23, v19  }
0x16a: {  	s11 =	simm.s32 $0x40;
	s20 =	sor.u32 s16, s18;
	s14 =	sand.u32 $0x1C00, s31;
	v17 =	vadd.f32 v5, v17;
	v5 =	vld [tilespmem:s0+$0x0];
	v32 =	vadd.f32 v27, v25  }
0x16b: {  	s28 =	sor.u32 s15, s10;
	s5 =	sadd.s32 $0x2800, s14;
	v14 =	vadd.f32 v14, v19;
	v26 =	vld [tilespmem:s20+$0x0];
	s20 =	sand.u32 $0x60, s11  }
0x16c: {  	v17 =	vadd.f32 v42, v17;
	v4 =	vld [tilespmem:s28+$0x0];
	s10 =	sor.u32 $0x10, s20;
	s9 =	sor.u32 s20, s5;
	v21 =	vadd.f32 v28, v32  }
0x16d: {  	v11 =	vadd.f32 v11, v14;
	s7 =	sor.u32 s10, s5;
	v42 =	vld [tilespmem:s9+$0x0]  }
0x16e: {  	v14 =	vadd.f32 v44, v17;
	v37 =	vld [tilespmem:s7+$0x0];
	v21 =	vadd.f32 v29, v21  }
0x16f: {  	v11 =	vadd.f32 v12, v11;
	v39 =	vld [tilespmem:s7+$0x80]  }
0x170: {  	v12 =	vadd.f32 v58, v14;
	v14 =	vld [tilespmem:s9+$0x80];
	v21 =	vadd.f32 v30, v21  }
0x171: {  	v8 =	vadd.f32 v8, v11;
	v44 =	vld [tilespmem:s7+$0x100]  }
0x172: {  	v49 =	vadd.f32 v36, v34;
	v52 =	vld [tilespmem:s9+$0x100];
	v48 =	vadd.f32 v31, v21  }
0x173: {  	v12 =	vadd.f32 v59, v12;
	v7 =	vadd.f32 v7, v8;
	v50 =	vld [tilespmem:s7+$0x180]  }
0x174: {  	v54 =	vld [tilespmem:s9+$0x180];
	v51 =	vadd.f32 v39, v37;
	v16 =	vadd.f32 $1.000000000e+00, v48  }
0x175: {  	v53 =	vld [tilespmem:s7+$0x200];
	v12 =	vadd.f32 v60, v12;
	v21 =	vadd.f32 v38, v49  }
0x176: {  	v58 =	vld [tilespmem:s9+$0x200];
	v18 =	vadd.f32 v44, v51;
	v55 =	vshrl.u32 v16, $0x1;
	v16 =	vmul.f32 $5.000000000e-01, v16  }
0x177: {  	v56 =	vld [tilespmem:s7+$0x280];
	v12 =	vadd.f32 v61, v12;
	v21 =	vadd.f32 v40, v21;
	v57 =	vsub.s32 $0x5F3759DF, v55  }
0x178: {  	v62 =	vld [tilespmem:s9+$0x300];
	v3 =	vadd.f32 v3, v7;
	v18 =	vadd.f32 v50, v18;
	v11 =	vmul.f32 v57, v16  }
0x179: {  	v59 =	vld [tilespmem:s7+$0x300];
	v12 =	vadd.f32 v15, v12;
	v21 =	vadd.f32 v41, v21  }
0x17a: {  	s0 =	sadd.s32 $0x3D00, s14;
	v60 =	vld [tilespmem:s9+$0x280];
	v2 =	vadd.f32 v2, v3;
	v15 =	vadd.f32 v53, v18;
	v8 =	vmul.f32 v57, v11  }
0x17b: {  	s18 =	sadd.s32 $0x3C00, s14;
	s4 =	sor.u32 s10, s0;
	v61 =	vld [tilespmem:s7+$0x380];
	v12 =	vadd.f32 v63, v12;
	v11 =	vadd.f32 v43, v21  }
0x17c: {  	s28 =	sor.u32 s10, s18;
	v32 =	vld [tilespmem:s4+$0x0];
	v15 =	vadd.f32 v56, v15;
	v8 =	vsub.f32 $1.500000000e+00, v8  }
0x17d: {  	s5 =	sadd.s32 $0x3C80, s14;
	v63 =	vld [tilespmem:s28+$0x0];
	v12 =	vadd.f32 v26, v12;
	v11 =	vadd.f32 v45, v11  }
0x17e: {  	s31 =	sor.u32 s10, s5;
	v30 =	vld [tilespmem:s9+$0x380];
	v1 =	vadd.f32 v1, v2;
	v15 =	vadd.f32 v59, v15;
	v7 =	vmul.f32 v57, v8  }
0x17f: {  	s2 =	sor.u32 s20, s18;
	s7 =	sadd.s32 $0x3D80, s14;
	v12 =	vadd.f32 v33, v12;
	v8 =	vadd.f32 v46, v11;
	v11 =	vld [tilespmem:s31+$0x0]  }
0x180: {  	s18 =	sor.u32 s20, s0;
	s0 =	sor.u32 s20, s7;
	v31 =	vld [tilespmem:s2+$0x0];
	v1 =	vadd.f32 v35, v1;
	v15 =	vadd.f32 v61, v15;
	v3 =	vmul.f32 v7, v16  }
0x181: {  	s6 =	sor.u32 s20, s5;
	v35 =	vld [tilespmem:s0+$0x0];
	v12 =	vadd.f32 $1.000000000e+00, v12;
	v8 =	vadd.f32 v47, v8  }
0x182: {  	s9 =	sor.u32 s10, s7;
	s28 =	sadd.s32 $0x3E00, s14;
	v33 =	vld [tilespmem:s6+$0x0];
	v15 =	vadd.f32 v63, v15;
	v2 =	vmul.f32 v3, v7  }
0x183: {  	s31 =	sor.u32 s10, s28;
	v3 =	vadd.f32 v13, v8;
	v8 =	vld [tilespmem:s9+$0x0];
	v13 =	vshrl.u32 v12, $0x1;
	v12 =	vmul.f32 $5.000000000e-01, v12  }
0x184: {  	s4 =	sadd.s32 $0x3E80, s14;
	s7 =	sor.u32 s20, s28;
	v34 =	vld [tilespmem:s31+$0x0];
	s9 =	sadd.s32 $0x3F00, s14;
	v11 =	vadd.f32 v11, v15;
	v13 =	vsub.s32 $0x5F3759DF, v13;
	v2 =	vsub.f32 $1.500000000e+00, v2  }
0x185: {  	v1 =	vadd.f32 $1.000000000e+00, v1;
	s6 =	sor.u32 s10, s4;
	s28 =	sadd.s32 $0x3F80, s14;
	v15 =	vld [tilespmem:s18+$0x0];
	s18 =	sor.u32 s10, s9;
	v3 =	vadd.f32 v10, v3;
	v10 =	vmul.f32 v13, v12  }
0x186: {  	s31 =	sor.u32 s20, s4;
	s4 =	simm.s32 $0x300;
	s14 =	simm.s32 $0x60;
	v37 =	vld [tilespmem:s18+$0x0];
	v11 =	vadd.f32 v32, v11;
	v2 =	vmul.f32 v2, v7;
	v7 =	vadd.f32 v14, v42  }
0x187: {  	v36 =	vmul.f32 $5.000000000e-01, v1;
	s0 =	sor.u32 s10, s28;
	s2 =	sand.u32 $0x1C00, s4;
	s18 =	sand.u32 $0x60, s14;
	v14 =	vld [tilespmem:s6+$0x0];
	v3 =	vadd.f32 v9, v3;
	v9 =	vmul.f32 v13, v10  }
0x188: {  	s5 =	sor.u32 s15, s19;
	v39 =	vld [tilespmem:s0+$0x0];
	s15 =	sor.u32 $0x10, s18;
	s6 =	sadd.s32 $0x2800, s2;
	v8 =	vadd.f32 v8, v11;
	v11 =	vshrl.u32 v1, $0x1;
	v7 =	vadd.f32 v52, v7  }
0x189: {  	v10 =	vld [tilespmem:s7+$0x0];
	s7 =	sor.u32 s15, s6;
	v11 =	vsub.s32 $0x5F3759DF, v11;
	v9 =	vsub.f32 $1.500000000e+00, v9;
	v16 =	vmul.f32 v2, v16  }
0x18a: {  	v6 =	vadd.f32 v6, v3;
	v41 =	vld [tilespmem:s7+$0x0];
	v8 =	vadd.f32 v34, v8;
	v38 =	vmul.f32 v11, v36  }
0x18b: {  	v42 =	vld [tilespmem:s7+$0x80];
	v7 =	vadd.f32 v54, v7;
	v9 =	vmul.f32 v13, v9;
	v13 =	vmul.f32 v16, v2  }
0x18c: {  	v40 =	vld [tilespmem:s5+$0x0];
	v4 =	vadd.f32 v4, v6;
	v8 =	vadd.f32 v14, v8  }
0x18d: {  	v14 =	vmul.f32 v11, v38;
	v7 =	vadd.f32 v58, v7;
	v13 =	vsub.f32 $1.500000000e+00, v13  }
0x18e: {  	s3 =	sor.u32 s20, s9;
	v1 =	vld [tilespmem:s31+$0x0];
	v6 =	vmul.f32 v9, v12;
	v4 =	vadd.f32 v5, v4;
	v8 =	vadd.f32 v37, v8  }
0x18f: {  	s9 =	sor.u32 s18, s6;
	v3 =	vld [tilespmem:s3+$0x0];
	v14 =	vsub.f32 $1.500000000e+00, v14;
	v7 =	vadd.f32 v60, v7  }
0x190: {  	v43 =	vld [tilespmem:s9+$0x0];
	v18 =	vadd.f32 v42, v41;
	v6 =	vmul.f32 v6, v9;
	v8 =	vadd.f32 v39, v8  }
0x191: {  	v4 =	vadd.f32 v40, v4;
	v5 =	vmul.f32 v11, v14;
	v11 =	vld [tilespmem:s7+$0x100];
	v7 =	vadd.f32 v62, v7  }
0x192: {  	v13 =	vmul.f32 v13, v2;
	v2 =	vsub.f32 $1.500000000e+00, v6;
	v6 =	vld [tilespmem:s9+$0x80];
	v8 =	vadd.f32 $1.000000000e+00, v8  }
0x193: {  	v44 =	vld [tilespmem:s7+$0x180];
	v4 =	vadd.f32 $1.000000000e+00, v4;
	v14 =	vmul.f32 v5, v36;
	v7 =	vadd.f32 v30, v7  }
0x194: {  	v45 =	vld [tilespmem:s9+$0x100];
	v9 =	vmul.f32 v2, v9;
	v46 =	vshrl.u32 v8, $0x1;
	v8 =	vmul.f32 $5.000000000e-01, v8  }
0x195: {  	v2 =	vld [tilespmem:s7+$0x200];
	v50 =	vshrl.u32 v4, $0x1;
	v51 =	vmul.f32 $5.000000000e-01, v4;
	v19 =	vsub.s32 $0x5F3759DF, v46  }
0x196: {  	v47 =	vld [tilespmem:s9+$0x180];
	v14 =	vmul.f32 v14, v5;
	v11 =	vadd.f32 v11, v18;
	v48 =	vmul.f32 v19, v8  }
0x197: {  	v49 =	vld [tilespmem:s7+$0x280];
	v53 =	vsub.s32 $0x5F3759DF, v50;
	v7 =	vadd.f32 v31, v7;
	v6 =	vadd.f32 v6, v43  }
0x198: {  	v14 =	vsub.f32 $1.500000000e+00, v14;
	v4 =	vadd.f32 v44, v11;
	v11 =	vld [tilespmem:s9+$0x200];
	v52 =	vmul.f32 v19, v48  }
0x199: {  	v54 =	vld [tilespmem:s7+$0x300];
	v24 =	vmul.f32 v53, v51;
	v7 =	vadd.f32 v33, v7;
	v6 =	vadd.f32 v45, v6  }
0x19a: {  	v12 =	vmul.f32 v9, v12;
	v2 =	vadd.f32 v2, v4;
	v4 =	vld [tilespmem:s9+$0x280];
	v16 =	vsub.f32 $1.500000000e+00, v52  }
0x19b: {  	s19 =	sadd.s32 $0x3C00, s2;
	v55 =	vmul.f32 v53, v24;
	v7 =	vadd.f32 v15, v7;
	v15 =	vld [tilespmem:s7+$0x380];
	v6 =	vadd.f32 v47, v6  }
0x19c: {  	s31 =	sor.u32 s15, s19;
	v56 =	vld [tilespmem:s9+$0x300];
	v12 =	vmul.f32 v12, v9;
	v2 =	vadd.f32 v49, v2;
	v16 =	vmul.f32 v19, v16  }
0x19d: {  	s0 =	sadd.s32 $0x3C80, s2;
	v5 =	vmul.f32 v14, v5;
	v57 =	vsub.f32 $1.500000000e+00, v55;
	v6 =	vadd.f32 v11, v6;
	v11 =	vld [tilespmem:s31+$0x0]  }
0x19e: {  	s4 =	sor.u32 s15, s0;
	v14 =	vld [tilespmem:s9+$0x380];
	v12 =	vsub.f32 $1.500000000e+00, v12;
	v2 =	vadd.f32 v54, v2;
	v58 =	vmul.f32 v16, v8  }
0x19f: {  	s7 =	sor.u32 s18, s19;
	s9 =	sadd.s32 $0x3D00, s2;
	v7 =	vadd.f32 v35, v7;
	v18 =	vmul.f32 v53, v57;
	v4 =	vadd.f32 v4, v6;
	v6 =	vld [tilespmem:s4+$0x0]  }
0x1a0: {  	s19 =	sor.u32 s15, s9;
	v17 =	vmul.f32 v5, v36;
	v2 =	vadd.f32 v15, v2;
	v15 =	vld [tilespmem:s7+$0x0];
	v59 =	vmul.f32 v58, v16  }
0x1a1: {  	s31 =	sor.u32 s18, s0;
	s0 =	sadd.s32 $0x3D80, s2;
	v7 =	vadd.f32 v10, v7;
	v10 =	vld [tilespmem:s19+$0x0];
	v60 =	vmul.f32 v18, v51;
	v4 =	vadd.f32 v56, v4  }
0x1a2: {  	v17 =	vmul.f32 v17, v5;
	s4 =	sor.u32 s15, s0;
	v2 =	vadd.f32 v11, v2;
	v11 =	vld [tilespmem:s31+$0x0];
	v20 =	vsub.f32 $1.500000000e+00, v59  }
0x1a3: {  	s5 =	sor.u32 s18, s9;
	v9 =	vmul.f32 v12, v9;
	s7 =	sadd.s32 $0x3E00, s2;
	v19 =	vmul.f32 v60, v18;
	v4 =	vadd.f32 v14, v4;
	v14 =	vld [tilespmem:s4+$0x0]  }
0x1a4: {  	s12 =	sand.u32 $0x380, s12;
	v61 =	vld [tilespmem:s5+$0x0];
	v12 =	vsub.f32 $1.500000000e+00, v17;
	s9 =	sor.u32 s15, s7;
	v6 =	vadd.f32 v6, v2;
	v2 =	vmul.f32 v20, v16  }
0x1a5: {  	s3 =	sor.u32 s13, s12;
	s6 =	sor.u32 s18, s0;
	s31 =	sadd.s32 $0x3E80, s2;
	v62 =	vsub.f32 $1.500000000e+00, v19;
	v4 =	vadd.f32 v15, v4;
	v15 =	vld [tilespmem:s9+$0x0]  }
0x1a6: {  	s12 =	simm.s32 $0x6;
	s13 =	sor.u32 s20, s28;
	v1 =	vadd.f32 v1, v7;
	s4 =	sor.u32 s15, s31;
	v10 =	vadd.f32 v10, v6;
	v6 =	vld [tilespmem:s6+$0x0];
	v63 =	vmul.f32 v2, v8  }
0x1a7: {  	[tilespmem:s3+$0x1B200] =	vst v13;
	s3 =	sadd.s32 $0x3F80, s2;
	v5 =	vmul.f32 v12, v5;
	s5 =	sor.u32 s18, s7;
	v7 =	vld [tilespmem:s4+$0x0];
	s9 =	sadd.s32 $0x3F00, s2;
	v11 =	vadd.f32 v11, v4;
	v4 =	vmul.f32 v62, v18  }
0x1a8: {  	s19 =	simm.s32 $0x1B200;
	s0 =	sand.u32 $0x380, s17;
	s28 =	sor.u32 s15, s9;
	v8 =	vld [tilespmem:s5+$0x0];
	v12 =	vadd.f32 v14, v10;
	v13 =	vmul.f32 v63, v2  }
0x1a9: {  	s17 =	sor.u32 s16, s0;
	s16 =	simm.s32 $0x400;
	v1 =	vadd.f32 v3, v1;
	s31 =	sor.u32 s18, s31;
	[tilespmem:s19+$0x0] =	vst v5;
	v10 =	vld [tilespmem:s28+$0x0];
	v11 =	vadd.f32 v61, v11;
	v5 =	vmul.f32 v4, v51  }
0x1aa: {  	[tilespmem:s17+$0x1B200] =	vst v9;
	s17 =	simm.s32 $0x80;
	v9 =	vld [tilespmem:s31+$0x0];
	s2 =	sor.u32 s15, s3;
	s1 =	sor.u32 s18, s9;
	v12 =	vadd.f32 v15, v12;
	v3 =	vsub.f32 $1.500000000e+00, v13  }
.LBB2_10:
0x1ab: {  	s5 =	sand.u32 $0x60, s17;
	s20 =	sand.u32 $0x1C00, s16;
	v6 =	vadd.f32 v6, v11;
	v11 =	vld [tilespmem:s2+$0x0];
	s6 =	sand.u32 $0x380, s11;
	v5 =	vmul.f32 v5, v4  }
0x1ac: {  	s12 =	sadd.s32 $0x2, s12;
	s7 =	sadd.s32 $0x2800, s20;
	s9 =	sor.u32 $0x10, s5;
	v13 =	vld [tilespmem:s1+$0x0];
	v7 =	vadd.f32 v7, v12;
	v2 =	vmul.f32 v3, v2  }
0x1ad: {  	p1 =	slt.u32 s12, $0x26;
	s6 =	sor.u32 s10, s6;
	s2 =	sor.u32 s9, s7;
	v3 =	vadd.f32 v8, v6;
	v6 =	vld [tilespmem:s13+$0x0];
	v5 =	vsub.f32 $1.500000000e+00, v5  }
0x1ae: {  	s1 =	sor.u32 s5, s7;
	s13 =	sor.u32 s18, s3;
	s18 =	smov.u32 s5;
	v8 =	vld [tilespmem:s2+$0x0];
	v7 =	vadd.f32 v10, v7;
	[tilespmem:s6+$0x1B200] =	vst v2  }
0x1af: {  	s11 =	smov.u32 s14;
	s10 =	smov.u32 s15;
	s15 =	smov.u32 s9;
	v2 =	vld [tilespmem:s2+$0x80];
	v3 =	vadd.f32 v9, v3;
	v4 =	vmul.f32 v5, v4  }
0x1b0: {  	s19 =	sadd.s32 $0x20, s19;
	s14 =	smov.u32 s17;
	v5 =	vld [tilespmem:s1+$0x0];
	v7 =	vadd.f32 v11, v7  }
0x1b1: {  	v9 =	vld [tilespmem:s2+$0x100];
	v3 =	vadd.f32 v13, v3;
	[tilespmem:s19+$0x0] =	vst v4  }
0x1b2: {  	v4 =	vld [tilespmem:s1+$0x80];
	v7 =	vadd.f32 $1.000000000e+00, v7;
	v6 =	vadd.f32 v6, v1  }
0x1b3: {  	v10 =	vld [tilespmem:s2+$0x180];
	v1 =	vmov v3  }
0x1b4: {  	v3 =	vld [tilespmem:s1+$0x100];
	v2 =	vadd.f32 v2, v8;
	v8 =	vshrl.u32 v7, $0x1;
	v7 =	vmul.f32 $5.000000000e-01, v7  }
0x1b5: {  	v6 =	vadd.f32 $1.000000000e+00, v6;
	v11 =	vld [tilespmem:s2+$0x200];
	v8 =	vsub.s32 $0x5F3759DF, v8  }
0x1b6: {  	v12 =	vld [tilespmem:s1+$0x180];
	v2 =	vadd.f32 v9, v2;
	v9 =	vmul.f32 v8, v7  }
0x1b7: {  	v13 =	vshrl.u32 v6, $0x1;
	v14 =	vmul.f32 $5.000000000e-01, v6;
	v4 =	vadd.f32 v4, v5;
	v5 =	vld [tilespmem:s2+$0x280]  }
0x1b8: {  	v6 =	vld [tilespmem:s1+$0x200];
	v2 =	vadd.f32 v10, v2;
	v9 =	vmul.f32 v8, v9;
	v10 =	vsub.s32 $0x5F3759DF, v13  }
0x1b9: {  	v3 =	vadd.f32 v3, v4;
	v4 =	vld [tilespmem:s2+$0x300];
	v13 =	vmul.f32 v10, v14  }
0x1ba: {  	v15 =	vld [tilespmem:s1+$0x280];
	v2 =	vadd.f32 v11, v2;
	v9 =	vsub.f32 $1.500000000e+00, v9  }
0x1bb: {  	s3 =	sadd.s32 $0x3C00, s20;
	v3 =	vadd.f32 v12, v3;
	v11 =	vld [tilespmem:s2+$0x380];
	v12 =	vmul.f32 v10, v13  }
0x1bc: {  	s2 =	sor.u32 s18, s3;
	s3 =	sor.u32 s15, s3;
	v13 =	vld [tilespmem:s1+$0x300];
	v2 =	vadd.f32 v5, v2;
	v5 =	vmul.f32 v8, v9  }
0x1bd: {  	s5 =	sadd.s32 $0x3C80, s20;
	v3 =	vadd.f32 v6, v3;
	v6 =	vld [tilespmem:s3+$0x0];
	v8 =	vsub.f32 $1.500000000e+00, v12  }
0x1be: {  	s3 =	sor.u32 s15, s5;
	v9 =	vld [tilespmem:s1+$0x380];
	s1 =	sor.u32 s18, s5;
	v2 =	vadd.f32 v4, v2;
	v4 =	vmul.f32 v5, v7  }
0x1bf: {  	s5 =	sadd.s32 $0x3D00, s20;
	v3 =	vadd.f32 v15, v3;
	v12 =	vld [tilespmem:s3+$0x0];
	v8 =	vmul.f32 v10, v8  }
0x1c0: {  	s3 =	sor.u32 s15, s5;
	v10 =	vld [tilespmem:s2+$0x0];
	s2 =	sor.u32 s18, s5;
	v2 =	vadd.f32 v11, v2;
	v4 =	vmul.f32 v4, v5  }
0x1c1: {  	s5 =	sadd.s32 $0x3D80, s20;
	v3 =	vadd.f32 v13, v3;
	v11 =	vld [tilespmem:s3+$0x0];
	v13 =	vmul.f32 v8, v14  }
0x1c2: {  	s3 =	sor.u32 s15, s5;
	v15 =	vld [tilespmem:s1+$0x0];
	s1 =	sor.u32 s18, s5;
	v2 =	vadd.f32 v6, v2;
	v4 =	vsub.f32 $1.500000000e+00, v4  }
0x1c3: {  	s5 =	sadd.s32 $0x3E00, s20;
	v3 =	vadd.f32 v9, v3;
	v9 =	vld [tilespmem:s3+$0x0];
	v6 =	vmul.f32 v13, v8  }
0x1c4: {  	s3 =	sor.u32 s15, s5;
	v13 =	vld [tilespmem:s2+$0x0];
	s2 =	sor.u32 s18, s5;
	v12 =	vadd.f32 v12, v2;
	v2 =	vmul.f32 v4, v5  }
0x1c5: {  	s5 =	sadd.s32 $0x3E80, s20;
	v3 =	vadd.f32 v10, v3;
	v16 =	vld [tilespmem:s3+$0x0];
	v4 =	vsub.f32 $1.500000000e+00, v6  }
.Ltmp4:
0x1c6: {  	s6 =	sor.u32 s18, s5;
	v6 =	vld [tilespmem:s1+$0x0];
	v5 =	vadd.f32 v11, v12;
	s1 =	sor.u32 s15, s5;
	v10 =	vmul.f32 v2, v7;
	(pc) =	sbr.rel @p1 .LBB2_10-.Ltmp4, $4  }
0x1c7: {  	s3 =	sadd.s32 $0x3F00, s20;
	v3 =	vadd.f32 v15, v3;
	v7 =	vld [tilespmem:s1+$0x0];
	v4 =	vmul.f32 v4, v8  }
0x1c8: {  	s1 =	sor.u32 s18, s3;
	v8 =	vld [tilespmem:s2+$0x0];
	v12 =	vadd.f32 v9, v5;
	s2 =	sor.u32 s15, s3;
	v15 =	vmul.f32 v10, v2  }
0x1c9: {  	s3 =	sadd.s32 $0x3F80, s20;
	v11 =	vadd.f32 v13, v3;
	v10 =	vld [tilespmem:s2+$0x0];
	v5 =	vmul.f32 v4, v14  }
0x1ca: {  	s16 =	sadd.s32 $0x100, s16;
	s17 =	sadd.s32 $0x20, s17;
	s2 =	sor.u32 s15, s3;
	v9 =	vld [tilespmem:s6+$0x0];
	v12 =	vadd.f32 v16, v12;
	v3 =	vsub.f32 $1.500000000e+00, v15  }
0x1cb: {  	v6 =	vadd.f32 v6, v11;
	v50 =	vld [tilespmem:s2+$0x0]  }
0x1cc: {  	v13 =	vld [tilespmem:s1+$0x0];
	v7 =	vadd.f32 v7, v12  }
0x1cd: {  	s18 =	sor.u32 s18, s3;
	v6 =	vadd.f32 v8, v6;
	v8 =	vld [tilespmem:s13+$0x0]  }
0x1ce: {  	v51 =	vld [tilespmem:s18+$0x0];
	v7 =	vadd.f32 v10, v7  }
0x1cf: {  	v6 =	vadd.f32 v9, v6  }
0x1d0: {  	v7 =	vadd.f32 v50, v7  }
0x1d1: {  	v6 =	vadd.f32 v13, v6  }
0x1d2: {  	v7 =	vadd.f32 $1.000000000e+00, v7;
	v1 =	vadd.f32 v8, v1  }
0x1d3: {  	v6 =	vadd.f32 v51, v6  }
0x1d4: {  	v8 =	vshrl.u32 v7, $0x1;
	v7 =	vmul.f32 $5.000000000e-01, v7;
	v1 =	vadd.f32 $1.000000000e+00, v1  }
0x1d5: {  	v8 =	vsub.s32 $0x5F3759DF, v8;
	v6 =	vadd.f32 $1.000000000e+00, v6  }
0x1d6: {  	v52 =	vmul.f32 v8, v7;
	v53 =	vshrl.u32 v1, $0x1;
	v1 =	vmul.f32 $5.000000000e-01, v1  }
0x1d7: {  	v10 =	vsub.s32 $0x5F3759DF, v53;
	v54 =	vshrl.u32 v6, $0x1;
	v6 =	vmul.f32 $5.000000000e-01, v6  }
0x1d8: {  	v55 =	vmul.f32 v10, v1;
	v11 =	vsub.s32 $0x5F3759DF, v54  }
0x1d9: {  	v9 =	vmul.f32 v8, v52;
	v56 =	vmul.f32 v11, v6  }
0x1da: {  	v12 =	vmul.f32 v10, v55  }
0x1db: {  	v9 =	vsub.f32 $1.500000000e+00, v9;
	v13 =	vmul.f32 v11, v56  }
0x1dc: {  	v12 =	vsub.f32 $1.500000000e+00, v12  }
0x1dd: {  	v8 =	vmul.f32 v8, v9;
	v57 =	vsub.f32 $1.500000000e+00, v13  }
0x1de: {  	v10 =	vmul.f32 v10, v12  }
0x1df: {  	v58 =	vmul.f32 v8, v7;
	v9 =	vmul.f32 v11, v57  }
0x1e0: {  	v59 =	vmul.f32 v10, v1  }
0x1e1: {  	v12 =	vmul.f32 v58, v8;
	v60 =	vmul.f32 v9, v6  }
0x1e2: {  	v11 =	vmul.f32 v59, v10  }
0x1e3: {  	v12 =	vsub.f32 $1.500000000e+00, v12;
	v13 =	vmul.f32 v60, v9  }
0x1e4: {  	v11 =	vsub.f32 $1.500000000e+00, v11  }
0x1e5: {  	v8 =	vmul.f32 v12, v8;
	v61 =	vsub.f32 $1.500000000e+00, v13  }
0x1e6: {  	v10 =	vmul.f32 v11, v10  }
0x1e7: {  	v7 =	vmul.f32 v8, v7;
	v9 =	vmul.f32 v61, v9  }
0x1e8: {  	v5 =	vmul.f32 v5, v4;
	v1 =	vmul.f32 v10, v1  }
0x1e9: {  	v7 =	vmul.f32 v7, v8;
	v6 =	vmul.f32 v9, v6  }
0x1ea: {  	v5 =	vsub.f32 $1.500000000e+00, v5;
	v1 =	vmul.f32 v1, v10  }
0x1eb: {  	s20 =	sand.u32 $0x380, s11;
	v2 =	vmul.f32 v3, v2;
	v3 =	vsub.f32 $1.500000000e+00, v7;
	v6 =	vmul.f32 v6, v9  }
0x1ec: {  	s1 =	sor.u32 s10, s20;
	v4 =	vmul.f32 v5, v4;
	v1 =	vsub.f32 $1.500000000e+00, v1  }
0x1ed: {  	s31 =	sadd.s32 $0x20, s19;
	s0 =	sand.u32 $0x380, s14;
	[tilespmem:s1+$0x1B200] =	vst v2;
	v2 =	vmul.f32 v3, v8;
	v3 =	vsub.f32 $1.500000000e+00, v6  }
0x1ee: {  	s2 =	sor.u32 s15, s0;
	[tilespmem:s31+$0x0] =	vst v4;
	v1 =	vmul.f32 v1, v10  }
0x1ef: {  	s1 =	sadd.s32 $0x20, s31;
	[tilespmem:s2+$0x1B200] =	vst v2;
	v2 =	vmul.f32 v3, v9  }
0x1f0: {  	[tilespmem:s1+$0x0] =	vst v1;
	s1 =	sadd.s32 $0x20, s1  }
0x1f1: {  	s10 =	simm.s32 $0x0;
	[tilespmem:s1+$0x0] =	vst v2  }
0x1f2: {  	s4 =	sand.u32 $0x40, s10;
	s6 =	sand.u32 $0x3800, s10;
	s0 =	rddreg [dreg:$0xa]  }
0x1f3: {  	[tilespmem:s29], [sflag:$0x1] =	stream.strided.gather [hbm4b:s0+s23], $0xA00, s22, s23, $0x200038;
	[tilespmem:$0x1E680] =	vst v63  }
0x1f4: {  	s5 =	sand.u32 $0x380, s10;
	s3 =	sshrl.u32 s6, $0x2;
	_ =	swait.ge [sflag:s21], $0xA00  }
0x1f5: {  	s2 =	sadd.s32 $0x1B200, s5;
	s5 =	sor.u32 $0x30, s4;
	[sflag:s21] =	ssyncset.done $0x0  }
0x1f6: {  	s7 =	sor.u32 s5, s2;
	s1 =	simm.s32 $0x1B200;
	[sflag:s21] =	ssyncadd.s32 $0xFFFFF600  }
0x1f7: {  	s3 =	sadd.s32 $0x1A800, s3;
	v3 =	vld [tilespmem:s1+$0x0];
	[dreg:$0x16] =	wrdreg s7  }
0x1f8: {  	s14 =	sor.u32 s5, s3;
	v2 =	vld [tilespmem:s7+$0x0]  }
0x1f9: {  	s9 =	sor.u32 $0x10, s4;
	s12 =	sor.u32 s4, s3;
	v4 =	vld [tilespmem:s14+$0x0]  }
0x1fa: {  	s16 =	simm.s32 $0x1B240;
	s28 =	simm.s32 $0x80;
	s13 =	sor.u32 s9, s3;
	v5 =	vld [tilespmem:s12+$0x0]  }
0x1fb: {  	s15 =	simm.s32 $0x40;
	s18 =	sor.u32 s9, s2;
	s1 =	sor.u32 $0x20, s4;
	v6 =	vld [tilespmem:s13+$0x0]  }
0x1fc: {  	s11 =	sand.u32 $0x380, s15;
	s22 =	sor.u32 s1, s3;
	s3 =	simm.s32 $0x400;
	v8 =	vld [tilespmem:s18+$0x0]  }
0x1fd: {  	s6 =	sand.u32 $0x40, s15;
	s19 =	sor.u32 s1, s2;
	v7 =	vld [tilespmem:s22+$0x0];
	s17 =	sand.u32 $0x3800, s3  }
0x1fe: {  	s21 =	sor.u32 $0x30, s6;
	s7 =	sadd.s32 $0x1B200, s11;
	v62 =	vld [tilespmem:s19+$0x0];
	s20 =	sshrl.u32 s17, $0x2  }
0x1ff: {  	s31 =	sor.u32 $0x20, s6;
	v1 =	vld [tilespmem:s16+$0x0];
	s17 =	sor.u32 s21, s7;
	s23 =	sadd.s32 $0x1A800, s20  }
0x200: {  	s29 =	sor.u32 $0x10, s6;
	s2 =	simm.s32 $0x0;
	s9 =	sor.u32 s21, s23;
	v63 =	vmul.f32 v2, v4;
	v2 =	vld [tilespmem:s17+$0x0]  }
0x201: {  	s1 =	simm.s32 $0x4;
	s11 =	smov.u32 s22;
	s5 =	sor.u32 s6, s23;
	v3 =	vmul.f32 v3, v5;
	v4 =	vld [tilespmem:s9+$0x0]  }
0x202: {  	s20 =	sor.u32 s29, s23;
	s6 =	sor.u32 s29, s7;
	s21 =	sor.u32 s31, s23;
	v5 =	vld [tilespmem:s5+$0x0];
	[tilespmem:s14+$0x0] =	vst v63  }
0x203: {  	s7 =	sor.u32 s31, s7;
	s23 =	smov.u32 s13;
	v6 =	vmul.f32 v8, v6;
	s17 =	simm.s32 $0x1B280;
	v7 =	vmul.f32 v62, v7;
	[tilespmem:s12+$0x0] =	vst v3;
	v3 =	vld [tilespmem:s20+$0x0]  }
.LBB2_12:
0x204: {  	s4 =	sand.u32 $0x40, s28;
	s31 =	sand.u32 $0x380, s28  }
0x205: {  	v8 =	vld [tilespmem:s21+$0x0];
	s3 =	sadd.s32 $0x400, s3;
	[tilespmem:s23+$0x0] =	vst v6;
	s23 =	smov.u32 s20;
	s1 =	sadd.s32 $0x4, s1  }
0x206: {  	s20 =	sand.u32 $0x3800, s3;
	s31 =	sadd.s32 $0x1B200, s31;
	v6 =	vld [tilespmem:s6+$0x0];
	[tilespmem:s11+$0x0] =	vst v7;
	s11 =	sor.u32 $0x30, s4  }
0x207: {  	p1 =	slt.u32 s1, $0x24;
	s6 =	sshrl.u32 s20, $0x2;
	v7 =	vld [tilespmem:s7+$0x0];
	v4 =	vmul.f32 v2, v4;
	s20 =	sor.u32 s11, s31  }
.Ltmp5:
0x208: {  	s7 =	sadd.s32 $0x1A800, s6;
	s6 =	sor.u32 $0x10, s4;
	v5 =	vmul.f32 v1, v5;
	v1 =	vld [tilespmem:s17+$0x0];
	(pc) =	sbr.rel @p1 .LBB2_12-.Ltmp5, $4  }
0x209: {  	s0 =	sor.u32 s4, s7;
	s4 =	sor.u32 $0x20, s4;
	v2 =	vld [tilespmem:s20+$0x0];
	[tilespmem:s9+$0x0] =	vst v4;
	s9 =	sor.u32 s11, s7  }
0x20a: {  	s20 =	sor.u32 s6, s7;
	s6 =	sor.u32 s6, s31;
	s29 =	sor.u32 s4, s7;
	v4 =	vld [tilespmem:s9+$0x0];
	[tilespmem:s5+$0x0] =	vst v5  }
0x20b: {  	s11 =	smov.u32 s21;
	s7 =	sor.u32 s4, s31;
	s5 =	smov.u32 s0;
	v5 =	vld [tilespmem:s0+$0x0];
	v6 =	vmul.f32 v6, v3  }
0x20c: {  	s28 =	sadd.s32 $0x40, s28;
	s17 =	sadd.s32 $0x40, s17;
	s21 =	smov.u32 s29;
	v3 =	vld [tilespmem:s20+$0x0];
	v7 =	vmul.f32 v7, v8  }
0x20d: {  	v8 =	vld [tilespmem:s21+$0x0]  }
0x20e: {  	v9 =	vld [tilespmem:s6+$0x0]  }
0x20f: {  	v10 =	vld [tilespmem:s7+$0x0];
	_ =	sdelay $0x1  }
0x210: {  	[tilespmem:s23+$0x0] =	vst v6;
	v2 =	vmul.f32 v2, v4  }
0x211: {  	[tilespmem:s11+$0x0] =	vst v7;
	v1 =	vmul.f32 v1, v5  }
0x212: {  	[tilespmem:s9+$0x0] =	vst v2;
	v2 =	vmul.f32 v9, v3  }
0x213: {  	[tilespmem:s5+$0x0] =	vst v1;
	v1 =	vmul.f32 v10, v8  }
0x214: {  	[tilespmem:s20+$0x0] =	vst v2  }
0x215: {  	s0 =	simm.s32 $0x1B200;
	[tilespmem:s21+$0x0] =	vst v1  }
0x216: {  	v1 =	vld [tilespmem:s0+$0x0]  }
0x217: {  	v6 =	vld [tilespmem:s14+$0x80]  }
0x218: {  	s31 =	rddreg [dreg:$0x16];
	v5 =	vld [tilespmem:s12+$0x80]  }
0x219: {  	v4 =	vld [tilespmem:s31+$0x0]  }
0x21a: {  	v2 =	vld [tilespmem:s13+$0x80]  }
0x21b: {  	v3 =	vld [tilespmem:s22+$0x80]  }
.LBB2_14:
0x21c: {  	s0 =	sand.u32 $0x40, s15  }
0x21d: {  	s1 =	sand.u32 $0x380, s15;
	v7 =	vld [tilespmem:s18+$0x0];
	s10 =	sadd.s32 $0x400, s10;
	s2 =	sadd.s32 $0x4, s2  }
0x21e: {  	s3 =	sand.u32 $0x3800, s10;
	s1 =	sadd.s32 $0x1B200, s1;
	v8 =	vld [tilespmem:s19+$0x0];
	v4 =	vmul.f32 v4, v6;
	s4 =	sor.u32 $0x30, s0  }
0x21f: {  	p1 =	slt.u32 s2, $0x24;
	s5 =	sor.u32 $0x10, s0;
	s3 =	sshrl.u32 s3, $0x2;
	v5 =	vmul.f32 v1, v5  }
0x220: {  	s7 =	sor.u32 $0x20, s0;
	s6 =	sor.u32 s4, s1;
	s3 =	sadd.s32 $0x1A800, s3;
	v1 =	vld [tilespmem:s16+$0x0];
	[tilespmem:s14+$0x80] =	vst v4  }
.Ltmp6:
0x221: {  	s14 =	sor.u32 s4, s3;
	v4 =	vld [tilespmem:s6+$0x0];
	[tilespmem:s12+$0x80] =	vst v5;
	s12 =	sor.u32 s0, s3;
	(pc) =	sbr.rel @p1 .LBB2_14-.Ltmp6, $4  }
0x222: {  	s18 =	sor.u32 s5, s1;
	s0 =	sor.u32 s5, s3;
	s3 =	sor.u32 s7, s3;
	v6 =	vld [tilespmem:s14+$0x80];
	v7 =	vmul.f32 v7, v2  }
0x223: {  	s19 =	sor.u32 s7, s1;
	s4 =	smov.u32 s22;
	s22 =	smov.u32 s3;
	v5 =	vld [tilespmem:s12+$0x80];
	v8 =	vmul.f32 v8, v3  }
0x224: {  	s17 =	simm.s32 $0x1B200;
	s1 =	simm.s32 $0x0;
	v2 =	vld [tilespmem:s0+$0x80];
	[tilespmem:s13+$0x80] =	vst v7;
	s13 =	smov.u32 s0  }
0x225: {  	s15 =	sadd.s32 $0x40, s15;
	s16 =	sadd.s32 $0x40, s16;
	v3 =	vld [tilespmem:s22+$0x80];
	[tilespmem:s4+$0x80] =	vst v8  }
0x226: {  	v7 =	vld [tilespmem:s18+$0x0]  }
0x227: {  	v8 =	vld [tilespmem:s19+$0x0];
	_ =	sdelay $0x1  }
0x228: {  	v4 =	vmul.f32 v4, v6  }
0x229: {  	v1 =	vmul.f32 v1, v5  }
0x22a: {  	[tilespmem:s14+$0x80] =	vst v4;
	v2 =	vmul.f32 v7, v2  }
0x22b: {  	s0 =	sand.u32 $0x40, s1;
	s2 =	sand.u32 $0x380, s1;
	[tilespmem:s12+$0x80] =	vst v1;
	v1 =	vmul.f32 v8, v3  }
0x22c: {  	s19 =	sand.u32 $0x3800, s1;
	s3 =	sadd.s32 $0x1B200, s2;
	s20 =	sor.u32 $0x30, s0;
	[tilespmem:s13+$0x80] =	vst v2  }
0x22d: {  	s1 =	sshrl.u32 s19, $0x2;
	s4 =	sor.u32 s20, s3;
	[tilespmem:s22+$0x80] =	vst v1  }
0x22e: {  	s1 =	sadd.s32 $0x1A800, s1;
	v3 =	vld [tilespmem:s17+$0x0];
	[dreg:$0x17] =	wrdreg s4  }
0x22f: {  	s19 =	simm.s32 $0x400;
	s12 =	sor.u32 s20, s1;
	v2 =	vld [tilespmem:s4+$0x0]  }
0x230: {  	s21 =	sor.u32 $0x10, s0;
	s23 =	sand.u32 $0x3800, s19;
	s2 =	sor.u32 s0, s1;
	v4 =	vld [tilespmem:s12+$0x100]  }
0x231: {  	s0 =	sor.u32 $0x20, s0;
	s18 =	sor.u32 s21, s1;
	s22 =	simm.s32 $0x40;
	v5 =	vld [tilespmem:s2+$0x100]  }
0x232: {  	s11 =	sor.u32 s0, s1;
	s15 =	sand.u32 $0x40, s22;
	s4 =	sor.u32 s21, s3;
	v6 =	vld [tilespmem:s18+$0x100]  }
0x233: {  	s3 =	sor.u32 s0, s3;
	v7 =	vld [tilespmem:s11+$0x100];
	s0 =	sand.u32 $0x380, s22;
	[dreg:$0x18] =	wrdreg s4  }
0x234: {  	s20 =	sor.u32 $0x30, s15;
	s13 =	sadd.s32 $0x1B200, s0;
	v8 =	vld [tilespmem:s4+$0x0];
	[dreg:$0x19] =	wrdreg s3  }
0x235: {  	s5 =	simm.s32 $0x1B240;
	s29 =	sshrl.u32 s23, $0x2;
	s31 =	sor.u32 s20, s13;
	v9 =	vld [tilespmem:s3+$0x0]  }
0x236: {  	s16 =	simm.s32 $0x1B280;
	s0 =	sadd.s32 $0x1A800, s29;
	v1 =	vld [tilespmem:s5+$0x0];
	[dreg:$0x1a] =	wrdreg s31  }
0x237: {  	s14 =	simm.s32 $0x80;
	s10 =	smov.u32 s18;
	s1 =	sor.u32 s20, s0;
	v10 =	vmul.f32 v2, v4;
	v2 =	vld [tilespmem:s31+$0x0]  }
0x238: {  	s9 =	sor.u32 $0x10, s15;
	s28 =	sor.u32 $0x20, s15;
	s21 =	sor.u32 s15, s0;
	v3 =	vmul.f32 v3, v5;
	v4 =	vld [tilespmem:s1+$0x100]  }
0x239: {  	s22 =	smov.u32 s11;
	s6 =	sor.u32 s9, s13;
	s3 =	sor.u32 s9, s0;
	v5 =	vld [tilespmem:s21+$0x100];
	[tilespmem:s12+$0x100] =	vst v10  }
0x23a: {  	s23 =	sor.u32 s28, s0;
	s7 =	sor.u32 s28, s13;
	s5 =	simm.s32 $0x4;
	[tilespmem:s2+$0x100] =	vst v3;
	v6 =	vmul.f32 v8, v6;
	v3 =	vld [tilespmem:s3+$0x100];
	v7 =	vmul.f32 v9, v7  }
.LBB2_16:
0x23b: {  	s0 =	sand.u32 $0x40, s14;
	s4 =	sand.u32 $0x380, s14  }
0x23c: {  	v8 =	vld [tilespmem:s23+$0x100];
	s19 =	sadd.s32 $0x400, s19;
	[tilespmem:s10+$0x100] =	vst v6;
	s10 =	smov.u32 s3;
	s5 =	sadd.s32 $0x4, s5  }
0x23d: {  	s3 =	sand.u32 $0x3800, s19;
	s4 =	sadd.s32 $0x1B200, s4;
	v6 =	vld [tilespmem:s6+$0x0];
	[tilespmem:s22+$0x100] =	vst v7;
	s6 =	sor.u32 $0x30, s0  }
0x23e: {  	p1 =	slt.u32 s5, $0x24;
	s22 =	sor.u32 $0x10, s0;
	s3 =	sshrl.u32 s3, $0x2;
	v7 =	vld [tilespmem:s7+$0x0];
	v4 =	vmul.f32 v2, v4  }
.Ltmp7:
0x23f: {  	s7 =	sadd.s32 $0x1A800, s3;
	s3 =	sor.u32 s6, s4;
	v5 =	vmul.f32 v1, v5;
	v1 =	vld [tilespmem:s16+$0x0];
	(pc) =	sbr.rel @p1 .LBB2_16-.Ltmp7, $4  }
0x240: {  	s29 =	sor.u32 s0, s7;
	s0 =	sor.u32 $0x20, s0;
	v2 =	vld [tilespmem:s3+$0x0];
	[tilespmem:s1+$0x100] =	vst v4;
	s1 =	sor.u32 s6, s7  }
0x241: {  	s3 =	sor.u32 s22, s7;
	s6 =	sor.u32 s22, s4;
	s31 =	sor.u32 s0, s7;
	v4 =	vld [tilespmem:s1+$0x100];
	[tilespmem:s21+$0x100] =	vst v5  }
0x242: {  	s22 =	smov.u32 s23;
	s7 =	sor.u32 s0, s4;
	s21 =	smov.u32 s29;
	v5 =	vld [tilespmem:s29+$0x100];
	v6 =	vmul.f32 v6, v3  }
0x243: {  	s14 =	sadd.s32 $0x40, s14;
	s16 =	sadd.s32 $0x40, s16;
	s23 =	smov.u32 s31;
	v3 =	vld [tilespmem:s3+$0x100];
	v7 =	vmul.f32 v7, v8  }
0x244: {  	v8 =	vld [tilespmem:s23+$0x100]  }
0x245: {  	v9 =	vld [tilespmem:s6+$0x0]  }
0x246: {  	v10 =	vld [tilespmem:s7+$0x0];
	_ =	sdelay $0x1  }
0x247: {  	[tilespmem:s10+$0x100] =	vst v6;
	v2 =	vmul.f32 v2, v4  }
0x248: {  	[tilespmem:s22+$0x100] =	vst v7;
	v1 =	vmul.f32 v1, v5  }
0x249: {  	[tilespmem:s1+$0x100] =	vst v2;
	v2 =	vmul.f32 v9, v3  }
0x24a: {  	[tilespmem:s21+$0x100] =	vst v1;
	v1 =	vmul.f32 v10, v8  }
0x24b: {  	[tilespmem:s3+$0x100] =	vst v2  }
0x24c: {  	[tilespmem:s23+$0x100] =	vst v1  }
0x24d: {  	v3 =	vld [tilespmem:s17+$0x0]  }
0x24e: {  	v4 =	vld [tilespmem:s12+$0x180]  }
0x24f: {  	v5 =	vld [tilespmem:s2+$0x180]  }
0x250: {  	v6 =	vld [tilespmem:s18+$0x180]  }
0x251: {  	s1 =	simm.s32 $0x400;
	s0 =	rddreg [dreg:$0x17];
	v7 =	vld [tilespmem:s11+$0x180]  }
0x252: {  	s22 =	sand.u32 $0x3800, s1;
	s3 =	rddreg [dreg:$0x18];
	v2 =	vld [tilespmem:s0+$0x0]  }
0x253: {  	s23 =	rddreg [dreg:$0x19];
	v8 =	vld [tilespmem:s3+$0x0];
	s0 =	sshrl.u32 s22, $0x2  }
0x254: {  	s29 =	simm.s32 $0x1B240;
	v62 =	vld [tilespmem:s23+$0x0];
	s0 =	sadd.s32 $0x1A800, s0  }
0x255: {  	v1 =	vld [tilespmem:s29+$0x0];
	s3 =	sor.u32 s15, s0  }
0x256: {  	s31 =	rddreg [dreg:$0x1a];
	v3 =	vmul.f32 v3, v5;
	v5 =	vld [tilespmem:s3+$0x180]  }
0x257: {  	s16 =	simm.s32 $0x4;
	s14 =	sor.u32 s20, s0;
	v63 =	vmul.f32 v2, v4;
	v2 =	vld [tilespmem:s31+$0x0]  }
0x258: {  	s6 =	sor.u32 s9, s13;
	s7 =	sor.u32 s28, s13;
	s10 =	sor.u32 s9, s0;
	v4 =	vld [tilespmem:s14+$0x180];
	[tilespmem:s2+$0x180] =	vst v3  }
0x259: {  	s5 =	sor.u32 s28, s0;
	s9 =	simm.s32 $0x1B280;
	v6 =	vmul.f32 v8, v6;
	v7 =	vmul.f32 v62, v7;
	v3 =	vld [tilespmem:s10+$0x180];
	s2 =	simm.s32 $0x80;
	[tilespmem:s12+$0x180] =	vst v63  }
.LBB2_18:
0x25a: {  	s0 =	sand.u32 $0x40, s2;
	s1 =	sadd.s32 $0x400, s1  }
0x25b: {  	s4 =	sand.u32 $0x380, s2;
	v8 =	vld [tilespmem:s5+$0x180];
	[tilespmem:s18+$0x180] =	vst v6;
	s18 =	smov.u32 s10;
	s10 =	sand.u32 $0x3800, s1  }
0x25c: {  	s16 =	sadd.s32 $0x4, s16;
	s4 =	sadd.s32 $0x1B200, s4;
	v6 =	vld [tilespmem:s6+$0x0];
	[tilespmem:s11+$0x180] =	vst v7;
	s6 =	sshrl.u32 s10, $0x2  }
0x25d: {  	p1 =	slt.u32 s16, $0x24;
	s10 =	sor.u32 $0x30, s0;
	v7 =	vld [tilespmem:s7+$0x0];
	v4 =	vmul.f32 v2, v4;
	s7 =	sadd.s32 $0x1A800, s6  }
.Ltmp8:
0x25e: {  	s6 =	sor.u32 $0x10, s0;
	s11 =	sor.u32 s10, s4;
	v5 =	vmul.f32 v1, v5;
	v1 =	vld [tilespmem:s9+$0x0];
	(pc) =	sbr.rel @p1 .LBB2_18-.Ltmp8, $4  }
0x25f: {  	s12 =	sor.u32 s0, s7;
	s0 =	sor.u32 $0x20, s0;
	v2 =	vld [tilespmem:s11+$0x0];
	[tilespmem:s14+$0x180] =	vst v4;
	s14 =	sor.u32 s10, s7  }
0x260: {  	s10 =	sor.u32 s6, s7;
	s6 =	sor.u32 s6, s4;
	s13 =	sor.u32 s0, s7;
	v4 =	vld [tilespmem:s14+$0x180];
	[tilespmem:s3+$0x180] =	vst v5  }
0x261: {  	s11 =	smov.u32 s5;
	s7 =	sor.u32 s0, s4;
	s3 =	smov.u32 s12;
	v5 =	vld [tilespmem:s12+$0x180];
	v6 =	vmul.f32 v6, v3  }
0x262: {  	s2 =	sadd.s32 $0x40, s2;
	s9 =	sadd.s32 $0x40, s9;
	s5 =	smov.u32 s13;
	v3 =	vld [tilespmem:s10+$0x180];
	v7 =	vmul.f32 v7, v8  }
0x263: {  	v8 =	vld [tilespmem:s5+$0x180]  }
0x264: {  	v9 =	vld [tilespmem:s6+$0x0]  }
0x265: {  	v10 =	vld [tilespmem:s7+$0x0];
	_ =	sdelay $0x1  }
0x266: {  	[tilespmem:s18+$0x180] =	vst v6;
	v2 =	vmul.f32 v2, v4  }
0x267: {  	[tilespmem:s11+$0x180] =	vst v7;
	v1 =	vmul.f32 v1, v5  }
0x268: {  	[tilespmem:s14+$0x180] =	vst v2;
	v2 =	vmul.f32 v9, v3  }
0x269: {  	[tilespmem:s3+$0x180] =	vst v1;
	v1 =	vmul.f32 v10, v8  }
0x26a: {  	[tilespmem:s10+$0x180] =	vst v2  }
0x26b: {  	[tilespmem:s5+$0x180] =	vst v1  }
0x26c: {  	s29 =	simm.s32 $0x1A800;
	s21 =	simm.s32 $0x1;
	s0 =	rddreg [dreg:$0xb]  }
0x26d: {  	[spmem:s0] =	stream.linear.scatter [tilespmem:s29], [sflag:$0x1], $0xA00, $0x200038;
	[tilespmem:$0x1E680] =	vst v63  }
0x26e: {  	_ =	swait.ge [sflag:s21], $0xA00  }
0x26f: {  	s1 =	simm.s32 @!p0 $0x1B200;
	[sflag:s21] =	ssyncset.done $0x0  }
0x270: {  	s0 =	simm.s32 @!p0 $0x0;
	s2 =	rddreg [dreg:$0xc];
	[sflag:s21] =	ssyncadd.s32 $0xFFFFF600  }
0x271: {  	[hbm4b:s2+s0] =	stream.linear.scatter @!p0 [tilespmem:s1], [sflag:$0x1], $0x280, $0x200038;
	[tilespmem:$0x1E680] =	vst v63  }
0x272: {  	s0 =	simm.s32 @!p0 $0x1  }
0x273: {  	_ =	swait.ge @!p0 [sflag:s0], $0x280  }
0x274: {  	[sflag:s0] =	ssyncset.done @!p0 $0x0  }
0x275: {  	[sflag:s0] =	ssyncadd.s32 @!p0 $0xFFFFFD80  }
0x276: {  	[bflag:$0x0] =	sbarrier.arrive $0xFFFF  }
0x277: {  	s18 =	simm.s32 $0x80;
	s23 =	simm.s32 $0x200;
	s20 =	rddreg [dreg:$0x3]  }
0x278: {  	[tilespmem:s24], [sflag:$0x1] =	stream.strided.gather [spmem:s20], $0x2800, s23, s18, $0x200038;
	[tilespmem:$0x1E680] =	vst v63  }
0x279: {  	_ =	swait.ge [sflag:s21], $0x2800  }
0x27a: {  	[sflag:s21] =	ssyncset.done $0x0  }
0x27b: {  	s22 =	rddreg [dreg:$0xd];
	[sflag:s21] =	ssyncadd.s32 $0xFFFFD800  }
0x27c: {  	[tilespmem:s25], [sflag:$0x1] =	stream.strided.gather [spmem:s22], $0x2800, s23, s18, $0x200038;
	[tilespmem:$0x1E680] =	vst v63  }
0x27d: {  	_ =	swait.ge [sflag:s21], $0x2800  }
0x27e: {  	[sflag:s21] =	ssyncset.done $0x0  }
0x27f: {  	s28 =	rddreg [dreg:$0xe];
	[sflag:s21] =	ssyncadd.s32 $0xFFFFD800  }
0x280: {  	[tilespmem:s26], [sflag:$0x1] =	stream.strided.gather [spmem:s28], $0x2800, s23, s18, $0x200038;
	[tilespmem:$0x1E680] =	vst v63  }
0x281: {  	_ =	swait.ge [sflag:s21], $0x2800  }
0x282: {  	[sflag:s21] =	ssyncset.done $0x0  }
0x283: {  	s6 =	simm.s32 $0xC800;
	s31 =	rddreg [dreg:$0xf];
	[sflag:s21] =	ssyncadd.s32 $0xFFFFD800  }
0x284: {  	[tilespmem:s6], [sflag:$0x1] =	stream.strided.gather [spmem:s31], $0x2800, s23, s18, $0x200038;
	[tilespmem:$0x1E680] =	vst v63  }
0x285: {  	_ =	swait.ge [sflag:s21], $0x2800  }
0x286: {  	[sflag:s21] =	ssyncset.done $0x0  }
0x287: {  	[sflag:s21] =	ssyncadd.s32 $0xFFFFD800  }
0x288: {  	s12 =	simm.s32 $0xF040;
	_ =	strace $0x90000049  }
0x289: {  	_ =	strace $0x8000004A;
	[tilespmem:s12+$0x30] =	vst v0  }
0x28a: {  	[tilespmem:s12+$0xFFFFFFE0] =	vst v0  }
0x28b: {  	[tilespmem:s12+$0xFFFFFFF0] =	vst v0  }
0x28c: {  	[tilespmem:s12+$0x0] =	vst v0  }
0x28d: {  	[tilespmem:s12+$0xFFFFFFC0] =	vst v0  }
0x28e: {  	[tilespmem:s12+$0x10] =	vst v0  }
0x28f: {  	[tilespmem:s12+$0x20] =	vst v0  }
0x290: {  	s11 =	simm.s32 $0x11840;
	[tilespmem:s12+$0xFFFFFFD0] =	vst v0  }
0x291: {  	[tilespmem:s11+$0x30] =	vst v0  }
0x292: {  	[tilespmem:s11+$0xFFFFFFC0] =	vst v0  }
0x293: {  	[tilespmem:s11+$0x10] =	vst v0  }
0x294: {  	[tilespmem:s11+$0xFFFFFFD0] =	vst v0  }
0x295: {  	[tilespmem:s11+$0x20] =	vst v0  }
0x296: {  	[tilespmem:s11+$0x0] =	vst v0  }
0x297: {  	s2 =	simm.s32 $0x14040;
	[tilespmem:s11+$0xFFFFFFF0] =	vst v0  }
0x298: {  	[tilespmem:s2+$0x30] =	vst v0  }
0x299: {  	[tilespmem:s2+$0xFFFFFFC0] =	vst v0  }
0x29a: {  	[tilespmem:s2+$0x10] =	vst v0  }
0x29b: {  	[tilespmem:s2+$0xFFFFFFD0] =	vst v0  }
0x29c: {  	[tilespmem:s2+$0x20] =	vst v0  }
0x29d: {  	[tilespmem:s2+$0x0] =	vst v0  }
0x29e: {  	s13 =	simm.s32 $0x16840;
	[tilespmem:s2+$0xFFFFFFF0] =	vst v0  }
0x29f: {  	[tilespmem:s13+$0x30] =	vst v0  }
0x2a0: {  	[tilespmem:s13+$0xFFFFFFC0] =	vst v0  }
0x2a1: {  	[tilespmem:s13+$0x10] =	vst v0  }
0x2a2: {  	[tilespmem:s13+$0xFFFFFFD0] =	vst v0  }
0x2a3: {  	s9 =	simm.s32 $0x168C0;
	[tilespmem:s13+$0x20] =	vst v0  }
0x2a4: {  	s19 =	simm.s32 $0x14000;
	s3 =	simm.s32 $0x140C0;
	s15 =	rddreg [dreg:$0x5]  }
0x2a5: {  	s1 =	simm.s32 $0x0;
	s22 =	simm.s32 $0x400;
	s17 =	rddreg [dreg:$0x7]  }
.LBB2_20:
0x2a6: {  	s1 =	sadd.s32 $0x8, s1;
	[tilespmem:s11+$0xFFFFFFE0] =	vst v0;
	s12 =	sadd.s32 $0x80, s12;
	s11 =	sadd.s32 $0x80, s11  }
0x2a7: {  	[tilespmem:s12+$0x30] =	vst v0;
	p1 =	slt.u32 s1, $0x278  }
0x2a8: {  	[tilespmem:s11+$0x30] =	vst v0  }
0x2a9: {  	[tilespmem:s3+$0x30] =	vst v0  }
0x2aa: {  	[tilespmem:s13+$0xFFFFFFF0] =	vst v0  }
0x2ab: {  	[tilespmem:s13+$0x0] =	vst v0  }
0x2ac: {  	[tilespmem:s2+$0xFFFFFFE0] =	vst v0;
	s2 =	smov.u32 s3  }
0x2ad: {  	[tilespmem:s13+$0xFFFFFFE0] =	vst v0;
	s13 =	smov.u32 s9  }
0x2ae: {  	[tilespmem:s9+$0x30] =	vst v0  }
0x2af: {  	[tilespmem:s12+$0xFFFFFFE0] =	vst v0  }
0x2b0: {  	[tilespmem:s12+$0xFFFFFFF0] =	vst v0  }
0x2b1: {  	[tilespmem:s12+$0x0] =	vst v0  }
0x2b2: {  	[tilespmem:s12+$0xFFFFFFC0] =	vst v0  }
0x2b3: {  	[tilespmem:s11+$0xFFFFFFC0] =	vst v0  }
0x2b4: {  	[tilespmem:s3+$0xFFFFFFC0] =	vst v0  }
0x2b5: {  	[tilespmem:s9+$0xFFFFFFC0] =	vst v0  }
0x2b6: {  	[tilespmem:s12+$0x10] =	vst v0  }
0x2b7: {  	[tilespmem:s11+$0x10] =	vst v0  }
0x2b8: {  	[tilespmem:s3+$0x10] =	vst v0  }
0x2b9: {  	[tilespmem:s9+$0x10] =	vst v0  }
0x2ba: {  	[tilespmem:s12+$0x20] =	vst v0  }
0x2bb: {  	[tilespmem:s12+$0xFFFFFFD0] =	vst v0  }
0x2bc: {  	[tilespmem:s11+$0xFFFFFFD0] =	vst v0  }
0x2bd: {  	[tilespmem:s3+$0xFFFFFFD0] =	vst v0  }
0x2be: {  	[tilespmem:s9+$0xFFFFFFD0] =	vst v0  }
0x2bf: {  	[tilespmem:s11+$0x20] =	vst v0  }
0x2c0: {  	[tilespmem:s3+$0x20] =	vst v0  }
.Ltmp9:
0x2c1: {  	[tilespmem:s9+$0x20] =	vst v0;
	(pc) =	sbr.rel @p1 .LBB2_20-.Ltmp9, $4  }
0x2c2: {  	[tilespmem:s11+$0x0] =	vst v0  }
0x2c3: {  	[tilespmem:s3+$0x0] =	vst v0  }
0x2c4: {  	[tilespmem:s11+$0xFFFFFFF0] =	vst v0  }
0x2c5: {  	s10 =	simm.s32 $0x0;
	s9 =	sadd.s32 $0x80, s9;
	s3 =	sadd.s32 $0x80, s3;
	[tilespmem:s2+$0xFFFFFFF0] =	vst v0  }
0x2c6: {  	[tilespmem:s11+$0xFFFFFFE0] =	vst v0  }
0x2c7: {  	[tilespmem:s13+$0xFFFFFFF0] =	vst v0  }
0x2c8: {  	[tilespmem:s13+$0x0] =	vst v0  }
0x2c9: {  	s4 =	rddreg [dreg:$0x1];
	[tilespmem:s2+$0xFFFFFFE0] =	vst v0  }
0x2ca: {  	s14 =	simm.s32 $0x0;
	s7 =	simm.s32 $0x19800;
	s9 =	simm.s32 $0x19000;
	[tilespmem:s13+$0xFFFFFFE0] =	vst v0  }
0x2cb: {  	s11 =	simm.s32 $0xF000;
	s13 =	simm.s32 $0x1A000;
	s16 =	rddreg [dreg:$0x6]  }
.LBB2_22:
0x2cc: {  	s0 =	smul.u32 $0x7D0, s10;
	_ =	sdelay $0x1  }
0x2cd: {  	s0 =	sadd.s32 s17, s0  }
0x2ce: {  	s0 =	sshrl.u32 s0, $0x3  }
0x2cf: {  	s1 =	sadd.s32 s15, s0  }
0x2d0: {  	[tilespmem:s9], [sflag:$0x1] =	stream.linear.gather [hbm4b:s1+s14], $0x7D0, $0x200038;
	[tilespmem:$0x1E680] =	vst v63  }
0x2d1: {  	_ =	swait.ge [sflag:s21], $0x7D0  }
0x2d2: {  	[sflag:s21] =	ssyncset.done $0x0  }
0x2d3: {  	s31 =	sadd.s32 s16, s0;
	[sflag:s21] =	ssyncadd.s32 $0xFFFFF830  }
0x2d4: {  	[tilespmem:s7], [sflag:$0x1] =	stream.linear.gather [hbm4b:s31+s14], $0x7D0, $0x200038;
	[tilespmem:$0x1E680] =	vst v63  }
0x2d5: {  	_ =	swait.ge [sflag:s21], $0x7D0  }
0x2d6: {  	[sflag:s21] =	ssyncset.done $0x0  }
0x2d7: {  	s0 =	sadd.s32 s4, s0;
	[sflag:s21] =	ssyncadd.s32 $0xFFFFF830  }
0x2d8: {  	[tilespmem:s13], [sflag:$0x1] =	stream.linear.gather [hbm4b:s0+s14], $0x7D0, $0x200038;
	[tilespmem:$0x1E680] =	vst v63  }
0x2d9: {  	_ =	swait.ge [sflag:s21], $0x7D0  }
0x2da: {  	[sflag:s21] =	ssyncset.done $0x0  }
0x2db: {  	s2 =	simm.s32 $0x19010;
	[sflag:s21] =	ssyncadd.s32 $0xFFFFF830  }
0x2dc: {  	v4 =	vld [tilespmem:s2+$0x0];
	_ =	sdelay $0x3  }
0x2dd: {  	s3 =	simm.s32 $0x19810  }
0x2de: {  	s12 =	simm.s32 $0x19030;
	v6 =	vld [tilespmem:s3+$0x0]  }
0x2df: {  	s5 =	simm.s32 $0x1A010;
	v10 =	vld [tilespmem:s12+$0x0]  }
0x2e0: {  	v7 =	vld [tilespmem:s5+$0x0]  }
0x2e1: {  	v1 =	vld.idx.msk [tilespmem:v4+s24+$0x0], $0xffff;
	_ =	sdelay $0x2  }
0x2e2: {  	s20 =	simm.s32 $0x19830;
	v9 =	vld [tilespmem:s2+$0xFFFFFFF0]  }
0x2e3: {  	s28 =	simm.s32 $0x1A030;
	v18 =	vld [tilespmem:s20+$0x0]  }
0x2e4: {  	v13 =	vld [tilespmem:s28+$0x0];
	v1 =	vmul.f32 v1, v7  }
0x2e5: {  	v11 =	vld.idx.msk [tilespmem:v10+s24+$0x0], $0xffff  }
0x2e6: {  	[tilespmem:v6+s11+$0x0] =	vst.idx.add.f32.msk $0xffff, v1  }
0x2e7: {  	v3 =	vld.idx.msk [tilespmem:v4+s25+$0x0], $0xffff;
	_ =	sdelay $0x2  }
0x2e8: {  	v2 =	vld [tilespmem:s5+$0xFFFFFFF0]  }
0x2e9: {  	v5 =	vld.idx.msk [tilespmem:v9+s24+$0x0], $0xffff;
	v11 =	vmul.f32 v11, v13  }
0x2ea: {  	v1 =	vld [tilespmem:s3+$0xFFFFFFF0];
	v8 =	vmul.f32 v3, v7  }
0x2eb: {  	[tilespmem:v18+s11+$0x0] =	vst.idx.add.f32.msk $0xffff, v11  }
0x2ec: {  	[tilespmem:v6+s30+$0x0] =	vst.idx.add.f32.msk $0xffff, v8  }
0x2ed: {  	v8 =	vld.idx.msk [tilespmem:v4+s26+$0x0], $0xffff  }
0x2ee: {  	v11 =	vld.idx.msk [tilespmem:v10+s25+$0x0], $0xffff  }
0x2ef: {  	v3 =	vld [tilespmem:s12+$0xFFFFFFF0]  }
0x2f0: {  	v5 =	vmul.f32 v5, v2;
	_ =	sdelay $0x1  }
0x2f1: {  	[tilespmem:v1+s11+$0x0] =	vst.idx.add.f32.msk $0xffff, v5;
	v5 =	vmul.f32 v8, v7  }
0x2f2: {  	v12 =	vld.idx.msk [tilespmem:v9+s25+$0x0], $0xffff  }
0x2f3: {  	v11 =	vmul.f32 v11, v13;
	[tilespmem:v6+s19+$0x0] =	vst.idx.add.f32.msk $0xffff, v5  }
0x2f4: {  	v14 =	vld.idx.msk [tilespmem:v4+s6+$0x0], $0xffff  }
0x2f5: {  	[tilespmem:v18+s30+$0x0] =	vst.idx.add.f32.msk $0xffff, v11  }
0x2f6: {  	v8 =	vld.idx.msk [tilespmem:v3+s24+$0x0], $0xffff  }
0x2f7: {  	v12 =	vmul.f32 v12, v2;
	v4 =	vld [tilespmem:s20+$0xFFFFFFF0]  }
0x2f8: {  	v5 =	vld [tilespmem:s28+$0xFFFFFFF0]  }
0x2f9: {  	[tilespmem:v1+s30+$0x0] =	vst.idx.add.f32.msk $0xffff, v12;
	v7 =	vmul.f32 v14, v7  }
0x2fa: {  	v12 =	vld.idx.msk [tilespmem:v9+s26+$0x0], $0xffff  }
0x2fb: {  	s31 =	simm.s32 $0x19050;
	[tilespmem:v6+s8+$0x0] =	vst.idx.add.f32.msk $0xffff, v7  }
0x2fc: {  	v7 =	vld [tilespmem:s31+$0x0]  }
0x2fd: {  	v11 =	vld.idx.msk [tilespmem:v10+s26+$0x0], $0xffff;
	v8 =	vmul.f32 v8, v5  }
0x2fe: {  	v6 =	vld [tilespmem:s31+$0xFFFFFFF0]  }
0x2ff: {  	s2 =	simm.s32 $0x19850;
	[tilespmem:v4+s11+$0x0] =	vst.idx.add.f32.msk $0xffff, v8  }
0x300: {  	v8 =	vmul.f32 v12, v2;
	v12 =	vld [tilespmem:s2+$0x0]  }
0x301: {  	v14 =	vld.idx.msk [tilespmem:v3+s25+$0x0], $0xffff  }
0x302: {  	s3 =	simm.s32 $0x1A050;
	[tilespmem:v1+s19+$0x0] =	vst.idx.add.f32.msk $0xffff, v8  }
0x303: {  	v16 =	vmul.f32 v11, v13;
	v8 =	vld [tilespmem:s3+$0x0]  }
0x304: {  	v15 =	vld.idx.msk [tilespmem:v7+s24+$0x0], $0xffff  }
0x305: {  	[tilespmem:v18+s19+$0x0] =	vst.idx.add.f32.msk $0xffff, v16  }
0x306: {  	v10 =	vld.idx.msk [tilespmem:v10+s6+$0x0], $0xffff  }
0x307: {  	v11 =	vld [tilespmem:s3+$0xFFFFFFF0]  }
0x308: {  	v16 =	vmul.f32 v14, v5;
	v14 =	vld [tilespmem:s2+$0xFFFFFFF0]  }
0x309: {  	v17 =	vld.idx.msk [tilespmem:v6+s24+$0x0], $0xffff;
	v15 =	vmul.f32 v15, v8  }
0x30a: {  	[tilespmem:v4+s30+$0x0] =	vst.idx.add.f32.msk $0xffff, v16  }
0x30b: {  	v10 =	vmul.f32 v10, v13;
	[tilespmem:v12+s11+$0x0] =	vst.idx.add.f32.msk $0xffff, v15  }
0x30c: {  	v16 =	vld.idx.msk [tilespmem:v7+s25+$0x0], $0xffff  }
0x30d: {  	v15 =	vld.idx.msk [tilespmem:v3+s26+$0x0], $0xffff  }
0x30e: {  	v13 =	vld.idx.msk [tilespmem:v9+s6+$0x0], $0xffff  }
0x30f: {  	s1 =	simm.s32 $0x4;
	s5 =	simm.s32 $0x19070;
	[tilespmem:v18+s8+$0x0] =	vst.idx.add.f32.msk $0xffff, v10;
	v10 =	vmov v12;
	v9 =	vmov v14;
	v17 =	vmul.f32 v17, v11  }
.LBB2_23:
0x310: {  	v18 =	vld [tilespmem:s5+$0x0];
	s1 =	sadd.s32 $0x2, s1  }
0x311: {  	v16 =	vmul.f32 v16, v8;
	v19 =	vld [tilespmem:s5+$0xFFFFFFF0];
	p1 =	slt.u32 s1, $0x7A  }
0x312: {  	[tilespmem:v14+s11+$0x0] =	vst.idx.add.f32.msk $0xffff, v17;
	v14 =	vmul.f32 v15, v5  }
0x313: {  	v20 =	vmul.f32 v13, v2;
	v2 =	vmov v5;
	v5 =	vmov v11;
	[tilespmem:v12+s30+$0x0] =	vst.idx.add.f32.msk $0xffff, v16  }
0x314: {  	v11 =	vld.idx.msk [tilespmem:v7+s26+$0x0], $0xffff  }
0x315: {  	v13 =	vld.idx.msk [tilespmem:v6+s25+$0x0], $0xffff  }
0x316: {  	s2 =	sadd.s32 $0x20, s2;
	[tilespmem:v4+s19+$0x0] =	vst.idx.add.f32.msk $0xffff, v14  }
0x317: {  	v12 =	vld [tilespmem:s2+$0x0]  }
0x318: {  	s3 =	sadd.s32 $0x20, s3;
	v15 =	vld.idx.msk [tilespmem:v18+s24+$0x0], $0xffff  }
0x319: {  	v21 =	vld [tilespmem:s3+$0x0]  }
0x31a: {  	v14 =	vmul.f32 v11, v8;
	v16 =	vld.idx.msk [tilespmem:v19+s24+$0x0], $0xffff  }
0x31b: {  	v13 =	vmul.f32 v13, v5;
	v11 =	vld [tilespmem:s3+$0xFFFFFFF0]  }
0x31c: {  	[tilespmem:v10+s19+$0x0] =	vst.idx.add.f32.msk $0xffff, v14  }
0x31d: {  	v22 =	vld.idx.msk [tilespmem:v7+s6+$0x0], $0xffff;
	v7 =	vmov v18  }
0x31e: {  	v14 =	vld [tilespmem:s2+$0xFFFFFFF0];
	v15 =	vmul.f32 v15, v21  }
0x31f: {  	[tilespmem:v9+s30+$0x0] =	vst.idx.add.f32.msk $0xffff, v13  }
0x320: {  	v17 =	vmul.f32 v16, v11;
	[tilespmem:v12+s11+$0x0] =	vst.idx.add.f32.msk $0xffff, v15  }
.Ltmp10:
0x321: {  	v16 =	vld.idx.msk [tilespmem:v18+s25+$0x0], $0xffff;
	(pc) =	sbr.rel @p1 .LBB2_23-.Ltmp10, $4  }
0x322: {  	v15 =	vld.idx.msk [tilespmem:v6+s26+$0x0], $0xffff  }
0x323: {  	v18 =	vmul.f32 v22, v8;
	v8 =	vmovc v21;
	v13 =	vld.idx.msk [tilespmem:v3+s6+$0x0], $0xffff;
	v3 =	vmov v6;
	v6 =	vmov v19  }
0x324: {  	[tilespmem:v1+s8+$0x0] =	vst.idx.add.f32.msk $0xffff, v20;
	v1 =	vmov v4;
	v4 =	vmov v9;
	v9 =	vmov v14  }
0x325: {  	s5 =	sadd.s32 $0x20, s5;
	[tilespmem:v10+s8+$0x0] =	vst.idx.add.f32.msk $0xffff, v18;
	v10 =	vmov v12  }
0x326: {  	_ =	sdelay $0x3  }
0x327: {  	[tilespmem:v14+s11+$0x0] =	vst.idx.add.f32.msk $0xffff, v17  }
0x328: {  	v14 =	vld.idx.msk [tilespmem:v6+s25+$0x0], $0xffff;
	_ =	sdelay $0x2  }
0x329: {  	v16 =	vmul.f32 v16, v8;
	_ =	sdelay $0x1  }
0x32a: {  	[tilespmem:v12+s30+$0x0] =	vst.idx.add.f32.msk $0xffff, v16;
	v14 =	vmul.f32 v14, v11  }
0x32b: {  	v12 =	vld.idx.msk [tilespmem:v7+s26+$0x0], $0xffff  }
0x32c: {  	[tilespmem:v9+s30+$0x0] =	vst.idx.add.f32.msk $0xffff, v14  }
0x32d: {  	v14 =	vld.idx.msk [tilespmem:v6+s26+$0x0], $0xffff  }
0x32e: {  	v15 =	vmul.f32 v15, v5;
	_ =	sdelay $0x1  }
0x32f: {  	[tilespmem:v4+s19+$0x0] =	vst.idx.add.f32.msk $0xffff, v15;
	v12 =	vmul.f32 v12, v8  }
0x330: {  	v3 =	vld.idx.msk [tilespmem:v3+s6+$0x0], $0xffff  }
0x331: {  	[tilespmem:v10+s19+$0x0] =	vst.idx.add.f32.msk $0xffff, v12;
	v62 =	vmul.f32 v14, v11  }
0x332: {  	v61 =	vld.idx.msk [tilespmem:v7+s6+$0x0], $0xffff  }
0x333: {  	[tilespmem:v9+s19+$0x0] =	vst.idx.add.f32.msk $0xffff, v62  }
0x334: {  	v63 =	vld.idx.msk [tilespmem:v6+s6+$0x0], $0xffff  }
0x335: {  	v2 =	vmul.f32 v13, v2;
	_ =	sdelay $0x1  }
0x336: {  	[tilespmem:v1+s8+$0x0] =	vst.idx.add.f32.msk $0xffff, v2;
	v1 =	vmul.f32 v3, v5  }
0x337: {  	v7 =	vmul.f32 v61, v8  }
0x338: {  	[tilespmem:v4+s8+$0x0] =	vst.idx.add.f32.msk $0xffff, v1;
	v2 =	vmul.f32 v63, v11  }
0x339: {  	[tilespmem:v10+s8+$0x0] =	vst.idx.add.f32.msk $0xffff, v7  }
0x33a: {  	[tilespmem:v9+s8+$0x0] =	vst.idx.add.f32.msk $0xffff, v2  }
0x33b: {  	v1 =	vld [tilespmem:$0x197C0];
	_ =	sdelay $0x5  }
0x33c: {  	v2 =	vld [tilespmem:$0x19FC0]  }
0x33d: {  	v3 =	vld [tilespmem:$0x1A7C0]  }
0x33e: {  	v4 =	vld.idx.msk [tilespmem:v1+s24+$0x0], $0xffff;
	_ =	sdelay $0x4  }
0x33f: {  	v4 =	vmul.f32 v4, v3;
	_ =	sdelay $0x1  }
0x340: {  	[tilespmem:v2+s11+$0x0] =	vst.idx.add.f32.msk $0xffff, v4  }
0x341: {  	v4 =	vld.idx.msk [tilespmem:v1+s25+$0x0], $0xffff;
	_ =	sdelay $0x4  }
0x342: {  	v4 =	vmul.f32 v4, v3;
	_ =	sdelay $0x1  }
0x343: {  	[tilespmem:v2+s30+$0x0] =	vst.idx.add.f32.msk $0xffff, v4  }
0x344: {  	v4 =	vld.idx.msk [tilespmem:v1+s26+$0x0], $0xffff;
	_ =	sdelay $0x4  }
0x345: {  	v4 =	vmul.f32 v4, v3;
	_ =	sdelay $0x1  }
0x346: {  	[tilespmem:v2+s19+$0x0] =	vst.idx.add.f32.msk $0xffff, v4  }
0x347: {  	v1 =	vld.idx.msk [tilespmem:v1+s6+$0x0], $0xffff  }
0x348: {  	s10 =	sadd.s32 $0x1, s10  }
0x349: {  	p1 =	sne.s32 s10, $0xA  }
.Ltmp11:
0x34a: {  	_ = 	snop;
	(pc) =	sbr.rel @p1 .LBB2_22-.Ltmp11, $3  }
0x34b: {  	_ = 	snop  }
0x34c: {  	v1 =	vmul.f32 v1, v3;
	_ =	sdelay $0x1  }
0x34d: {  	[tilespmem:v2+s8+$0x0] =	vst.idx.add.f32.msk $0xffff, v1  }
0x34e: {  	_ =	strace $0x9000004A  }
0x34f: {  	_ =	strace $0x8000004B  }
0x350: {  	s0 =	rddreg [dreg:$0x10]  }
0x351: {  	[hbm4b:s0+s18] =	stream.strided.scatter [tilespmem:s11], [sflag:$0x1], $0x2800, s23, s18, $0x200038;
	[tilespmem:$0x1E680] =	vst v63  }
0x352: {  	_ =	swait.ge [sflag:s21], $0x2800  }
0x353: {  	[sflag:s21] =	ssyncset.done $0x0  }
0x354: {  	s15 =	rddreg [dreg:$0x11];
	[sflag:s21] =	ssyncadd.s32 $0xFFFFD800  }
0x355: {  	[hbm4b:s15+s18] =	stream.strided.scatter [tilespmem:s30], [sflag:$0x1], $0x2800, s23, s18, $0x200038;
	[tilespmem:$0x1E680] =	vst v63  }
0x356: {  	_ =	swait.ge [sflag:s21], $0x2800  }
0x357: {  	[sflag:s21] =	ssyncset.done $0x0  }
0x358: {  	s20 =	rddreg [dreg:$0x12];
	[sflag:s21] =	ssyncadd.s32 $0xFFFFD800  }
0x359: {  	[hbm4b:s20+s18] =	stream.strided.scatter [tilespmem:s19], [sflag:$0x1], $0x2800, s23, s18, $0x200038;
	[tilespmem:$0x1E680] =	vst v63  }
0x35a: {  	_ =	swait.ge [sflag:s21], $0x2800  }
0x35b: {  	[sflag:s21] =	ssyncset.done $0x0  }
0x35c: {  	s28 =	rddreg [dreg:$0x13];
	[sflag:s21] =	ssyncadd.s32 $0xFFFFD800  }
0x35d: {  	[hbm4b:s28+s18] =	stream.strided.scatter [tilespmem:s8], [sflag:$0x1], $0x2800, s23, s18, $0x200038;
	[tilespmem:$0x1E680] =	vst v63  }
0x35e: {  	_ =	swait.ge [sflag:s21], $0x2800  }
0x35f: {  	s1 =	rddreg [dreg:$0x15]  }
0x360: {  	s31 =	rddreg [dreg:$0x14];
	s1 =	sadd.s32 $0x1, s1  }
0x361: {  	p1 =	sne.s32 s1, s31  }
.Ltmp12:
0x362: {  	_ = 	snop;
	(pc) =	sbr.rel @p1 .LBB2_1-.Ltmp12, $4  }
0x363: {  	_ = 	snop  }
0x364: {  	[sflag:s21] =	ssyncset.done $0x0  }
0x365: {  	[sflag:s21] =	ssyncadd.s32 $0xFFFFD800  }
0x366: {  	_ =	strace $0x9000004B  }
0x367: {  	_ =	sfence.sel $0x180000  }
0x368: {  	[bflag:$0x0] =	sbarrier.arrive $0xFFFF  }
0x369: {  	_ =	strace $0x90000047  }
0x36a: {  	s0 =	stileid.u32;
	[bflag:$0x2] =	sbarrier.arrive $0xFFFF  }
0x36b: {  	p0 =	sne.s32 s0, $0x0;
	s0 =	rddreg [dreg:$0x4]  }
0x36c: {  	s0 =	sadd.s32 @!p0 $0x100000, s0  }
0x36d: {  	[sflag:s0] =	ssyncadd.tile.s32 @!p0 $0x1;
	_ =	shalt  }
.Lfunc_end2:
_tile_overlayer_lowered:
.L_overlay_start_2:
0x36e: {  	(tag) =	ssettag $0x2  }
0x36f: {  	s0 =	rddreg [dreg:$0x0];
	s2 =	stileid.u32  }
0x370: {  	s1 =	rddreg [dreg:$0x1];
	p0 =	sne.s32 s2, $0x0  }
0x371: {  	s3 =	rddreg [dreg:$0x2];
	[bflag:$0x3] =	sbarrier.arrive $0xFFFF;
	s2 =	simm.s32 @!p0 $0x1C01  }
0x372: {  	[timem:s3], [sflag:s2] =	dma.local @!p0 [hbm:s0], s1  }
0x373: {  	s0 =	simm.s32 @!p0 $0x1  }
0x374: {  	_ =	swait.ge @!p0 [sflag:s0], s1  }
0x375: {  	s1 =	ssub.s32 @!p0 $0x0, s1;
	[sflag:s0] =	ssyncset.done @!p0 $0x0  }
0x376: {  	[sflag:s0] =	ssyncadd.s32 @!p0 s1  }
0x377: {  	[bflag:$0x3] =	sbarrier.arrive $0xFFFF  }
0x378: {  	_ =	shalt  }

</sc_bundles>
